<compile_context>
chip_gen: v7x
topology: tpu7x:2x2x1
jax: 0.10.2.dev20260603
libtpu: 0.0.44.dev20260713+nightly
codegen_flags: <defaults>
</compile_context>

<pallas_src>
import dataclasses
import functools

import jax
import jax.numpy as jnp
from jax import lax
from jax.experimental import pallas as pl
from jax.experimental.pallas import tpu as pltpu
from jax.experimental.pallas import tpu_sc as plsc

N = 50000
D = 128
E = 400000

N_PAD = 50176
E_PAD = 409600
E_SUB = E_PAD // 16
CHUNK = 3200
COLS_PER_SUB = D // 16

TILE = 3584
GRID = N_PAD // TILE


def _sc_mesh():
    return plsc.VectorSubcoreMesh(core_axis_name="c", subcore_axis_name="s")


def _sc_params():
    cp = pltpu.CompilerParams()
    if "needs_layout_passes" in pltpu.CompilerParams.__dataclass_fields__:
        cp = dataclasses.replace(cp, needs_layout_passes=False)
    return cp


def _histogram(edges):
    @functools.partial(
        pl.kernel,
        out_type=jax.ShapeDtypeStruct((32, N_PAD), jnp.float32),
        mesh=_sc_mesh(),
        compiler_params=_sc_params(),
        scratch_types=[
            pltpu.VMEM((N_PAD,), jnp.float32),
            pltpu.VMEM((CHUNK,), jnp.int32),
        ],
    )
    def hist_kernel(e_hbm, out_hbm, hist, dstv):
        c = lax.axis_index("c")
        s = lax.axis_index("s")
        zeros16 = jnp.zeros((16,), jnp.float32)
        ones16 = jnp.ones((16,), jnp.float32)

        @pl.loop(0, N_PAD, step=16)
        def _(i):
            hist[pl.ds(i, 16)] = zeros16

        base = s * E_SUB
        dst_row = 2 * c + 1

        @pl.loop(0, E_SUB, step=CHUNK)
        def _(off):
            pltpu.sync_copy(e_hbm.at[dst_row, pl.ds(base + off, CHUNK)], dstv)

            @pl.loop(0, CHUNK, step=16)
            def _(i):
                dv = dstv[pl.ds(i, 16)]
                plsc.addupdate_scatter(hist, [dv], ones16)

        pltpu.sync_copy(hist, out_hbm.at[c * 16 + s])

    return hist_kernel(edges)


def _matmul_body(x_ref, w_ref, out_ref):
    xt = x_ref[...].T
    out_ref[0:128, :] = jnp.dot(w_ref[0], xt, preferred_element_type=jnp.float32)
    out_ref[128:256, :] = jnp.dot(w_ref[1], xt, preferred_element_type=jnp.float32)


def _matmul(xp, w_stack):
    return pl.pallas_call(
        _matmul_body,
        grid=(GRID,),
        in_specs=[
            pl.BlockSpec((TILE, 128), lambda i: (i, 0)),
            pl.BlockSpec((2, 128, 128), lambda i: (0, 0, 0)),
        ],
        out_specs=pl.BlockSpec((256, TILE), lambda i: (0, i)),
        out_shape=jax.ShapeDtypeStruct((256, N_PAD), jnp.float32),
    )(xp, w_stack)


def _scale_body(part_ref, h_ref, g_ref, dinv_ref):
    deg_b = jnp.sum(part_ref[0:16, :], axis=0, keepdims=True) + 1.0
    deg_c = jnp.sum(part_ref[16:32, :], axis=0, keepdims=True) + 1.0
    dinv_b = lax.rsqrt(deg_b)
    dinv_c = lax.rsqrt(deg_c)
    dinv_ref[0:1, :] = dinv_b
    dinv_ref[1:2, :] = dinv_c
    g_ref[0:128, :] = h_ref[0:128, :] * dinv_b
    g_ref[128:256, :] = h_ref[128:256, :] * dinv_c


def _scale(partials, hT):
    return pl.pallas_call(
        _scale_body,
        grid=(GRID,),
        in_specs=[
            pl.BlockSpec((32, TILE), lambda i: (0, i)),
            pl.BlockSpec((256, TILE), lambda i: (0, i)),
        ],
        out_specs=[
            pl.BlockSpec((256, TILE), lambda i: (0, i)),
            pl.BlockSpec((2, TILE), lambda i: (0, i)),
        ],
        out_shape=[
            jax.ShapeDtypeStruct((256, N_PAD), jnp.float32),
            jax.ShapeDtypeStruct((2, N_PAD), jnp.float32),
        ],
    )(partials, hT)


def _aggregate(gT, edges):
    @functools.partial(
        pl.kernel,
        out_type=jax.ShapeDtypeStruct((256, N_PAD), jnp.float32),
        mesh=_sc_mesh(),
        compiler_params=_sc_params(),
        scratch_types=[
            pltpu.VMEM((N_PAD,), jnp.float32),
            pltpu.VMEM((N_PAD,), jnp.float32),
            pltpu.VMEM((CHUNK,), jnp.int32),
            pltpu.VMEM((CHUNK,), jnp.int32),
        ],
    )
    def agg_kernel(g_hbm, e_hbm, out_hbm, gcol, acc, srcv, dstv):
        c = lax.axis_index("c")
        s = lax.axis_index("s")
        zeros16 = jnp.zeros((16,), jnp.float32)
        src_row = 2 * c

        for k in range(COLS_PER_SUB):
            row = c * 128 + s * COLS_PER_SUB + k
            pltpu.sync_copy(g_hbm.at[row], gcol)

            @pl.loop(0, N_PAD, step=16)
            def _(i):
                acc[pl.ds(i, 16)] = zeros16

            @pl.loop(0, E_PAD, step=CHUNK)
            def _(off):
                pltpu.sync_copy(e_hbm.at[src_row, pl.ds(off, CHUNK)], srcv)
                pltpu.sync_copy(e_hbm.at[src_row + 1, pl.ds(off, CHUNK)], dstv)

                @pl.loop(0, CHUNK, step=16)
                def _(i):
                    sv = srcv[pl.ds(i, 16)]
                    dv = dstv[pl.ds(i, 16)]
                    vals = plsc.load_gather(gcol, [sv])
                    plsc.addupdate_scatter(acc, [dv], vals)

            pltpu.sync_copy(acc, out_hbm.at[row])

    return agg_kernel(gT, edges)


def _final_body(s_ref, g_ref, dinv_ref, b_ref, out_ref):
    tmp_b = (s_ref[0:128, :] + g_ref[0:128, :]) * dinv_ref[0:1, :]
    tmp_c = (s_ref[128:256, :] + g_ref[128:256, :]) * dinv_ref[1:2, :]
    bias = (b_ref[0] + b_ref[1])[None, :]
    out_ref[...] = (tmp_b + tmp_c).T + bias


def _final(sT, gT, dinv, b_stack):
    return pl.pallas_call(
        _final_body,
        grid=(GRID,),
        in_specs=[
            pl.BlockSpec((256, TILE), lambda i: (0, i)),
            pl.BlockSpec((256, TILE), lambda i: (0, i)),
            pl.BlockSpec((2, TILE), lambda i: (0, i)),
            pl.BlockSpec((2, 128), lambda i: (0, 0)),
        ],
        out_specs=pl.BlockSpec((TILE, 128), lambda i: (i, 0)),
        out_shape=jax.ShapeDtypeStruct((N_PAD, 128), jnp.float32),
    )(sT, gT, dinv, b_stack)


def kernel(x, edge_index_beam, edge_index_column, W_beam, b_beam, W_column, b_column):
    pad_n = E_PAD - E
    rows = []
    for ei in (edge_index_beam, edge_index_column):
        ei = ei.astype(jnp.int32)
        rows.append(jnp.concatenate([ei[0], jnp.zeros((pad_n,), jnp.int32)]))
        rows.append(jnp.concatenate([ei[1], jnp.full((pad_n,), N_PAD - 1, jnp.int32)]))
    edges = jnp.stack(rows)

    xp = jnp.pad(x, ((0, N_PAD - N), (0, 0)))
    w_stack = jnp.stack([W_beam, W_column])
    b_stack = jnp.stack([b_beam, b_column])

    partials = _histogram(edges)
    hT = _matmul(xp, w_stack)
    gT, dinv = _scale(partials, hT)
    sT = _aggregate(gT, edges)
    out_p = _final(sT, gT, dinv, b_stack)

    return out_p[:N]

# --- scband reference (transcript-rebuilt; emitter-appended) ---
"""Pipeline reference for scband-hetero-gnnlayer-46995532153264 (READ-ONLY COPY).

The authoritative reference and input builder live on the scoring server;
editing this copy changes nothing except your own understanding.
"""

import jax, jax.numpy as jnp
import numpy as np

N = 50000
D_IN = 128
D_OUT = 128
E = 400000


def gcn_conv(x, edge_index, W, b, n_nodes):
    # PyG GCNConv with default add_self_loops=True, normalize=True
    src = edge_index[0]
    dst = edge_index[1]
    loop = jnp.arange(n_nodes, dtype=src.dtype)
    src = jnp.concatenate([src, loop])
    dst = jnp.concatenate([dst, loop])
    ones = jnp.ones(src.shape[0], dtype=x.dtype)
    deg = jnp.zeros((n_nodes,), dtype=x.dtype).at[dst].add(ones)
    dinv = jnp.where(deg > 0, deg ** -0.5, 0.0)
    norm = dinv[src] * dinv[dst]
    h = x @ W.T  # linear transform (no bias inside lin)
    msg = jnp.take(h, src, axis=0) * norm[:, None]
    out = jnp.zeros((n_nodes, W.shape[0]), dtype=x.dtype).at[dst].add(msg)
    return out + b


def setup_inputs(seed: int = 0) -> dict:
    key = jax.random.key(seed)
    k1, k2, k3, k4, k5, k6, k7 = jax.random.split(key, 7)
    x = jax.random.normal(k1, (N, D_IN), dtype=jnp.float32)
    edge_index_beam = jax.random.randint(k2, (2, E), 0, N, dtype=jnp.int64)
    edge_index_column = jax.random.randint(k3, (2, E), 0, N, dtype=jnp.int64)
    s = 1.0 / np.sqrt(D_IN)
    W_beam = jax.random.uniform(k4, (D_OUT, D_IN), dtype=jnp.float32, minval=-s, maxval=s)
    b_beam = jax.random.uniform(k5, (D_OUT,), dtype=jnp.float32, minval=-s, maxval=s)
    W_column = jax.random.uniform(k6, (D_OUT, D_IN), dtype=jnp.float32, minval=-s, maxval=s)
    b_column = jax.random.uniform(k7, (D_OUT,), dtype=jnp.float32, minval=-s, maxval=s)
    return {
        "x": x,
        "edge_index_beam": edge_index_beam,
        "edge_index_column": edge_index_column,
        "W_beam": W_beam,
        "b_beam": b_beam,
        "W_column": W_column,
        "b_column": b_column,
    }


def reference(x, edge_index_beam, edge_index_column, W_beam, b_beam, W_column, b_column):
    # HeteroConv over two relations on the same node type, aggr='sum'
    out_beam = gcn_conv(x, edge_index_beam, W_beam, b_beam, N)
    out_column = gcn_conv(x, edge_index_column, W_column, b_column, N)
    return out_beam + out_column

if __name__ == "__main__":
    import jax
    _d = setup_inputs()
    print(jax.jit(kernel)(*tuple(_d.values())))

</pallas_src>

<mosaic_0001>
#map = affine_map<(d0, d1) -> (0, 0)>
module attributes {stable_mosaic.version = 14 : i64} {
  func.func @agg_kernel(%arg0: i32, %arg1: i32, %arg2: memref<256x50176xf32, #tpu.memory_space<hbm>>, %arg3: memref<4x409600xi32, #tpu.memory_space<hbm>>, %arg4: memref<256x50176xf32, #tpu.memory_space<hbm>>, %arg5: memref<50176xf32, #tpu.memory_space<vmem>>, %arg6: memref<50176xf32, #tpu.memory_space<vmem>>, %arg7: memref<3200xi32, #tpu.memory_space<vmem>>, %arg8: memref<3200xi32, #tpu.memory_space<vmem>>) attributes {dimension_semantics = [#tpu.dimension_semantics<core_parallel>, #tpu.dimension_semantics<subcore_parallel>], iteration_bounds = array<i64: 2, 16>, scalar_prefetch = 0 : i64, scratch_operands = 4 : i64, tpu.core_type = #tpu.core_type<sc_vector_subcore>, window_params = [{transform_indices = #map}, {transform_indices = #map}, {transform_indices = #map}]} {
    %broadcast_in_dim3A = arith.constant 0.000000e+00 : f32
    %broadcast_in_dim3A_0 = vector.broadcast %broadcast_in_dim3A : f32 to vector<16xf32>
    %mul3A = arith.constant 2 : i32
    %mul3A_1 = arith.muli %mul3A, %arg0 : i32
    %mul3A_2 = arith.constant 128 : i32
    %mul3A_3 = arith.muli %arg0, %mul3A_2 : i32
    %mul3A_4 = arith.constant 8 : i32
    %mul3A_5 = arith.muli %arg1, %mul3A_4 : i32
    %add3A = arith.addi %mul3A_3, %mul3A_5 : i32
    %add3A_6 = arith.constant 0 : i32
    %add3A_7 = arith.addi %add3A, %add3A_6 : i32
    "tpu.region"() ({
      %run_scoped3A = tpu.sem_alloc : memref<!tpu.dma_semaphore, #tpu.memory_space<semaphore_mem>>
      %dma_start3A = arith.constant 0 : i32
      %dma_start3A_136 = tpu.memref_slice %arg2[%add3A_7, %dma_start3A] : memref<256x50176xf32, #tpu.memory_space<hbm>> -> memref<1x50176xf32, #tpu.memory_space<hbm>>
      %dma_start3A_137 = tpu.memref_squeeze %dma_start3A_136 : memref<1x50176xf32, #tpu.memory_space<hbm>> -> memref<50176xf32, #tpu.memory_space<hbm>>
      %dma_start3A_138 = arith.constant 0 : i32
      %dma_start3A_139 = tpu.memref_slice %arg2[%add3A_7, %dma_start3A_138] : memref<256x50176xf32, #tpu.memory_space<hbm>> -> memref<1x50176xf32, #tpu.memory_space<hbm>>
      %dma_start3A_140 = tpu.memref_squeeze %dma_start3A_139 : memref<1x50176xf32, #tpu.memory_space<hbm>> -> memref<50176xf32, #tpu.memory_space<hbm>>
      tpu.enqueue_dma source(%dma_start3A_140 : memref<50176xf32, #tpu.memory_space<hbm>>) target(%arg5 : memref<50176xf32, #tpu.memory_space<vmem>>) target_semaphore(%run_scoped3A : memref<!tpu.dma_semaphore, #tpu.memory_space<semaphore_mem>>)
      %dma_wait3A = arith.constant 0 : i32
      %dma_wait3A_141 = tpu.memref_slice %arg2[%add3A_7, %dma_wait3A] : memref<256x50176xf32, #tpu.memory_space<hbm>> -> memref<1x50176xf32, #tpu.memory_space<hbm>>
      %dma_wait3A_142 = tpu.memref_squeeze %dma_wait3A_141 : memref<1x50176xf32, #tpu.memory_space<hbm>> -> memref<50176xf32, #tpu.memory_space<hbm>>
      %dma_wait3A_143 = arith.constant 0 : i32
      %dma_wait3A_144 = tpu.memref_slice %arg2[%add3A_7, %dma_wait3A_143] : memref<256x50176xf32, #tpu.memory_space<hbm>> -> memref<1x50176xf32, #tpu.memory_space<hbm>>
      %dma_wait3A_145 = tpu.memref_squeeze %dma_wait3A_144 : memref<1x50176xf32, #tpu.memory_space<hbm>> -> memref<50176xf32, #tpu.memory_space<hbm>>
      tpu.wait_dma2 semaphore(%run_scoped3A : memref<!tpu.dma_semaphore, #tpu.memory_space<semaphore_mem>>) src(%dma_wait3A_145 : memref<50176xf32, #tpu.memory_space<hbm>>) dst(%arg5 : memref<50176xf32, #tpu.memory_space<vmem>>)
      tpu.yield
    }) : () -> ()
    %scan3A = arith.constant 0 : i32
    %scan3A_8 = arith.constant 3136 : i32
    %scan3A_9 = arith.addi %scan3A, %scan3A_8 : i32
    %scan3A_10 = arith.constant 1 : i32
    scf.for %scan3A_136 = %scan3A to %scan3A_9 step %scan3A_10  : i32 {
      %mul3A_137 = arith.constant 16 : i32
      %mul3A_138 = arith.muli %scan3A_136, %mul3A_137 : i32
      %add3A_139 = arith.constant 0 : i32
      %add3A_140 = arith.addi %add3A_139, %mul3A_138 : i32
      %swap3A = arith.index_cast %add3A_140 : i32 to index
      %swap3A_141 = tpu.vector_load %arg6[%swap3A] {strides = array<i32>} : memref<50176xf32, #tpu.memory_space<vmem>>, vector<16xf32>,
      tpu.vector_store %arg6[%swap3A], %broadcast_in_dim3A_0 {strides = array<i32>} : memref<50176xf32, #tpu.memory_space<vmem>>, vector<16xf32>,
    }
    %scan3A_11 = arith.constant 3136 : i32
    %scan3A_12 = arith.constant 0 : i32
    %scan3A_13 = arith.constant 128 : i32
    %scan3A_14 = arith.addi %scan3A_12, %scan3A_13 : i32
    %scan3A_15 = arith.constant 1 : i32
    scf.for %scan3A_136 = %scan3A_12 to %scan3A_14 step %scan3A_15  : i32 {
      %mul3A_137 = arith.constant 3200 : i32
      %mul3A_138 = arith.muli %scan3A_136, %mul3A_137 : i32
      %add3A_139 = arith.constant 0 : i32
      %add3A_140 = arith.addi %add3A_139, %mul3A_138 : i32
      "tpu.region"() ({
        %run_scoped3A = tpu.sem_alloc : memref<!tpu.dma_semaphore, #tpu.memory_space<semaphore_mem>>
        %dma_start3A = tpu.memref_slice %arg3[%mul3A_1, %add3A_140] : memref<4x409600xi32, #tpu.memory_space<hbm>> -> memref<1x3200xi32, #tpu.memory_space<hbm>>
        %dma_start3A_148 = tpu.memref_squeeze %dma_start3A : memref<1x3200xi32, #tpu.memory_space<hbm>> -> memref<3200xi32, #tpu.memory_space<hbm>>
        %dma_start3A_149 = tpu.memref_slice %arg3[%mul3A_1, %add3A_140] : memref<4x409600xi32, #tpu.memory_space<hbm>> -> memref<1x3200xi32, #tpu.memory_space<hbm>>
        %dma_start3A_150 = tpu.memref_squeeze %dma_start3A_149 : memref<1x3200xi32, #tpu.memory_space<hbm>> -> memref<3200xi32, #tpu.memory_space<hbm>>
        tpu.enqueue_dma source(%dma_start3A_150 : memref<3200xi32, #tpu.memory_space<hbm>>) target(%arg7 : memref<3200xi32, #tpu.memory_space<vmem>>) target_semaphore(%run_scoped3A : memref<!tpu.dma_semaphore, #tpu.memory_space<semaphore_mem>>)
        %dma_wait3A = tpu.memref_slice %arg3[%mul3A_1, %add3A_140] : memref<4x409600xi32, #tpu.memory_space<hbm>> -> memref<1x3200xi32, #tpu.memory_space<hbm>>
        %dma_wait3A_151 = tpu.memref_squeeze %dma_wait3A : memref<1x3200xi32, #tpu.memory_space<hbm>> -> memref<3200xi32, #tpu.memory_space<hbm>>
        %dma_wait3A_152 = tpu.memref_slice %arg3[%mul3A_1, %add3A_140] : memref<4x409600xi32, #tpu.memory_space<hbm>> -> memref<1x3200xi32, #tpu.memory_space<hbm>>
        %dma_wait3A_153 = tpu.memref_squeeze %dma_wait3A_152 : memref<1x3200xi32, #tpu.memory_space<hbm>> -> memref<3200xi32, #tpu.memory_space<hbm>>
        tpu.wait_dma2 semaphore(%run_scoped3A : memref<!tpu.dma_semaphore, #tpu.memory_space<semaphore_mem>>) src(%dma_wait3A_153 : memref<3200xi32, #tpu.memory_space<hbm>>) dst(%arg7 : memref<3200xi32, #tpu.memory_space<vmem>>)
        tpu.yield
      }) : () -> ()
      %add3A_141 = arith.constant 1 : i32
      %add3A_142 = arith.addi %mul3A_1, %add3A_141 : i32
      "tpu.region"() ({
        %run_scoped3A = tpu.sem_alloc : memref<!tpu.dma_semaphore, #tpu.memory_space<semaphore_mem>>
        %dma_start3A = tpu.memref_slice %arg3[%add3A_142, %add3A_140] : memref<4x409600xi32, #tpu.memory_space<hbm>> -> memref<1x3200xi32, #tpu.memory_space<hbm>>
        %dma_start3A_148 = tpu.memref_squeeze %dma_start3A : memref<1x3200xi32, #tpu.memory_space<hbm>> -> memref<3200xi32, #tpu.memory_space<hbm>>
        %dma_start3A_149 = tpu.memref_slice %arg3[%add3A_142, %add3A_140] : memref<4x409600xi32, #tpu.memory_space<hbm>> -> memref<1x3200xi32, #tpu.memory_space<hbm>>
        %dma_start3A_150 = tpu.memref_squeeze %dma_start3A_149 : memref<1x3200xi32, #tpu.memory_space<hbm>> -> memref<3200xi32, #tpu.memory_space<hbm>>
        tpu.enqueue_dma source(%dma_start3A_150 : memref<3200xi32, #tpu.memory_space<hbm>>) target(%arg8 : memref<3200xi32, #tpu.memory_space<vmem>>) target_semaphore(%run_scoped3A : memref<!tpu.dma_semaphore, #tpu.memory_space<semaphore_mem>>)
        %dma_wait3A = tpu.memref_slice %arg3[%add3A_142, %add3A_140] : memref<4x409600xi32, #tpu.memory_space<hbm>> -> memref<1x3200xi32, #tpu.memory_space<hbm>>
        %dma_wait3A_151 = tpu.memref_squeeze %dma_wait3A : memref<1x3200xi32, #tpu.memory_space<hbm>> -> memref<3200xi32, #tpu.memory_space<hbm>>
        %dma_wait3A_152 = tpu.memref_slice %arg3[%add3A_142, %add3A_140] : memref<4x409600xi32, #tpu.memory_space<hbm>> -> memref<1x3200xi32, #tpu.memory_space<hbm>>
        %dma_wait3A_153 = tpu.memref_squeeze %dma_wait3A_152 : memref<1x3200xi32, #tpu.memory_space<hbm>> -> memref<3200xi32, #tpu.memory_space<hbm>>
        tpu.wait_dma2 semaphore(%run_scoped3A : memref<!tpu.dma_semaphore, #tpu.memory_space<semaphore_mem>>) src(%dma_wait3A_153 : memref<3200xi32, #tpu.memory_space<hbm>>) dst(%arg8 : memref<3200xi32, #tpu.memory_space<vmem>>)
        tpu.yield
      }) : () -> ()
      %scan3A_143 = arith.constant 0 : i32
      %scan3A_144 = arith.constant 200 : i32
      %scan3A_145 = arith.addi %scan3A_143, %scan3A_144 : i32
      %scan3A_146 = arith.constant 1 : i32
      scf.for %scan3A_148 = %scan3A_143 to %scan3A_145 step %scan3A_146  : i32 {
        %mul3A_149 = arith.constant 16 : i32
        %mul3A_150 = arith.muli %scan3A_148, %mul3A_149 : i32
        %add3A_151 = arith.constant 0 : i32
        %add3A_152 = arith.addi %add3A_151, %mul3A_150 : i32
        %get3A = arith.index_cast %add3A_152 : i32 to index
        %get3A_153 = tpu.vector_load %arg7[%get3A] {strides = array<i32>} : memref<3200xi32, #tpu.memory_space<vmem>>, vector<16xi32>,
        %get3A_154 = arith.index_cast %add3A_152 : i32 to index
        %get3A_155 = tpu.vector_load %arg8[%get3A_154] {strides = array<i32>} : memref<3200xi32, #tpu.memory_space<vmem>>, vector<16xi32>,
        %gather3A = tpu.vector_load_idx %arg5[%get3A_153] : memref<50176xf32, #tpu.memory_space<vmem>>[vector<16xi32>], vector<16xf32>,
        tpu.vector_store_idx %arg6[%get3A_155], %gather3A {add = true} : memref<50176xf32, #tpu.memory_space<vmem>>[vector<16xi32>], vector<16xf32>,
      }
      %scan3A_147 = arith.constant 200 : i32
    }
    %scan3A_16 = arith.constant 128 : i32
    "tpu.region"() ({
      %run_scoped3A = tpu.sem_alloc : memref<!tpu.dma_semaphore, #tpu.memory_space<semaphore_mem>>
      %dma_start3A = arith.constant 0 : i32
      %dma_start3A_136 = tpu.memref_slice %arg4[%add3A_7, %dma_start3A] : memref<256x50176xf32, #tpu.memory_space<hbm>> -> memref<1x50176xf32, #tpu.memory_space<hbm>>
      %dma_start3A_137 = tpu.memref_squeeze %dma_start3A_136 : memref<1x50176xf32, #tpu.memory_space<hbm>> -> memref<50176xf32, #tpu.memory_space<hbm>>
      %dma_start3A_138 = arith.constant 0 : i32
      %dma_start3A_139 = tpu.memref_slice %arg4[%add3A_7, %dma_start3A_138] : memref<256x50176xf32, #tpu.memory_space<hbm>> -> memref<1x50176xf32, #tpu.memory_space<hbm>>
      %dma_start3A_140 = tpu.memref_squeeze %dma_start3A_139 : memref<1x50176xf32, #tpu.memory_space<hbm>> -> memref<50176xf32, #tpu.memory_space<hbm>>
      tpu.enqueue_dma source(%arg6 : memref<50176xf32, #tpu.memory_space<vmem>>) target(%dma_start3A_140 : memref<50176xf32, #tpu.memory_space<hbm>>) target_semaphore(%run_scoped3A : memref<!tpu.dma_semaphore, #tpu.memory_space<semaphore_mem>>)
      %dma_wait3A = arith.constant 0 : i32
      %dma_wait3A_141 = tpu.memref_slice %arg4[%add3A_7, %dma_wait3A] : memref<256x50176xf32, #tpu.memory_space<hbm>> -> memref<1x50176xf32, #tpu.memory_space<hbm>>
      %dma_wait3A_142 = tpu.memref_squeeze %dma_wait3A_141 : memref<1x50176xf32, #tpu.memory_space<hbm>> -> memref<50176xf32, #tpu.memory_space<hbm>>
      %dma_wait3A_143 = arith.constant 0 : i32
      %dma_wait3A_144 = tpu.memref_slice %arg4[%add3A_7, %dma_wait3A_143] : memref<256x50176xf32, #tpu.memory_space<hbm>> -> memref<1x50176xf32, #tpu.memory_space<hbm>>
      %dma_wait3A_145 = tpu.memref_squeeze %dma_wait3A_144 : memref<1x50176xf32, #tpu.memory_space<hbm>> -> memref<50176xf32, #tpu.memory_space<hbm>>
      tpu.wait_dma2 semaphore(%run_scoped3A : memref<!tpu.dma_semaphore, #tpu.memory_space<semaphore_mem>>) src(%arg6 : memref<50176xf32, #tpu.memory_space<vmem>>) dst(%dma_wait3A_145 : memref<50176xf32, #tpu.memory_space<hbm>>)
      tpu.yield
    }) : () -> ()
    %mul3A_17 = arith.constant 128 : i32
    %mul3A_18 = arith.muli %arg0, %mul3A_17 : i32
    %mul3A_19 = arith.constant 8 : i32
    %mul3A_20 = arith.muli %arg1, %mul3A_19 : i32
    %add3A_21 = arith.addi %mul3A_18, %mul3A_20 : i32
    %add3A_22 = arith.constant 1 : i32
    %add3A_23 = arith.addi %add3A_21, %add3A_22 : i32
    "tpu.region"() ({
      %run_scoped3A = tpu.sem_alloc : memref<!tpu.dma_semaphore, #tpu.memory_space<semaphore_mem>>
      %dma_start3A = arith.constant 0 : i32
      %dma_start3A_136 = tpu.memref_slice %arg2[%add3A_23, %dma_start3A] : memref<256x50176xf32, #tpu.memory_space<hbm>> -> memref<1x50176xf32, #tpu.memory_space<hbm>>
      %dma_start3A_137 = tpu.memref_squeeze %dma_start3A_136 : memref<1x50176xf32, #tpu.memory_space<hbm>> -> memref<50176xf32, #tpu.memory_space<hbm>>
      %dma_start3A_138 = arith.constant 0 : i32
      %dma_start3A_139 = tpu.memref_slice %arg2[%add3A_23, %dma_start3A_138] : memref<256x50176xf32, #tpu.memory_space<hbm>> -> memref<1x50176xf32, #tpu.memory_space<hbm>>
      %dma_start3A_140 = tpu.memref_squeeze %dma_start3A_139 : memref<1x50176xf32, #tpu.memory_space<hbm>> -> memref<50176xf32, #tpu.memory_space<hbm>>
      tpu.enqueue_dma source(%dma_start3A_140 : memref<50176xf32, #tpu.memory_space<hbm>>) target(%arg5 : memref<50176xf32, #tpu.memory_space<vmem>>) target_semaphore(%run_scoped3A : memref<!tpu.dma_semaphore, #tpu.memory_space<semaphore_mem>>)
      %dma_wait3A = arith.constant 0 : i32
      %dma_wait3A_141 = tpu.memref_slice %arg2[%add3A_23, %dma_wait3A] : memref<256x50176xf32, #tpu.memory_space<hbm>> -> memref<1x50176xf32, #tpu.memory_space<hbm>>
      %dma_wait3A_142 = tpu.memref_squeeze %dma_wait3A_141 : memref<1x50176xf32, #tpu.memory_space<hbm>> -> memref<50176xf32, #tpu.memory_space<hbm>>
      %dma_wait3A_143 = arith.constant 0 : i32
      %dma_wait3A_144 = tpu.memref_slice %arg2[%add3A_23, %dma_wait3A_143] : memref<256x50176xf32, #tpu.memory_space<hbm>> -> memref<1x50176xf32, #tpu.memory_space<hbm>>
      %dma_wait3A_145 = tpu.memref_squeeze %dma_wait3A_144 : memref<1x50176xf32, #tpu.memory_space<hbm>> -> memref<50176xf32, #tpu.memory_space<hbm>>
      tpu.wait_dma2 semaphore(%run_scoped3A : memref<!tpu.dma_semaphore, #tpu.memory_space<semaphore_mem>>) src(%dma_wait3A_145 : memref<50176xf32, #tpu.memory_space<hbm>>) dst(%arg5 : memref<50176xf32, #tpu.memory_space<vmem>>)
      tpu.yield
    }) : () -> ()
    %scan3A_24 = arith.constant 0 : i32
    %scan3A_25 = arith.constant 3136 : i32
    %scan3A_26 = arith.addi %scan3A_24, %scan3A_25 : i32
    %scan3A_27 = arith.constant 1 : i32
    scf.for %scan3A_136 = %scan3A_24 to %scan3A_26 step %scan3A_27  : i32 {
      %mul3A_137 = arith.constant 16 : i32
      %mul3A_138 = arith.muli %scan3A_136, %mul3A_137 : i32
      %add3A_139 = arith.constant 0 : i32
      %add3A_140 = arith.addi %add3A_139, %mul3A_138 : i32
      %swap3A = arith.index_cast %add3A_140 : i32 to index
      %swap3A_141 = tpu.vector_load %arg6[%swap3A] {strides = array<i32>} : memref<50176xf32, #tpu.memory_space<vmem>>, vector<16xf32>,
      tpu.vector_store %arg6[%swap3A], %broadcast_in_dim3A_0 {strides = array<i32>} : memref<50176xf32, #tpu.memory_space<vmem>>, vector<16xf32>,
    }
    %scan3A_28 = arith.constant 3136 : i32
    %scan3A_29 = arith.constant 0 : i32
    %scan3A_30 = arith.constant 128 : i32
    %scan3A_31 = arith.addi %scan3A_29, %scan3A_30 : i32
    %scan3A_32 = arith.constant 1 : i32
    scf.for %scan3A_136 = %scan3A_29 to %scan3A_31 step %scan3A_32  : i32 {
      %mul3A_137 = arith.constant 3200 : i32
      %mul3A_138 = arith.muli %scan3A_136, %mul3A_137 : i32
      %add3A_139 = arith.constant 0 : i32
      %add3A_140 = arith.addi %add3A_139, %mul3A_138 : i32
      "tpu.region"() ({
        %run_scoped3A = tpu.sem_alloc : memref<!tpu.dma_semaphore, #tpu.memory_space<semaphore_mem>>
        %dma_start3A = tpu.memref_slice %arg3[%mul3A_1, %add3A_140] : memref<4x409600xi32, #tpu.memory_space<hbm>> -> memref<1x3200xi32, #tpu.memory_space<hbm>>
        %dma_start3A_148 = tpu.memref_squeeze %dma_start3A : memref<1x3200xi32, #tpu.memory_space<hbm>> -> memref<3200xi32, #tpu.memory_space<hbm>>
        %dma_start3A_149 = tpu.memref_slice %arg3[%mul3A_1, %add3A_140] : memref<4x409600xi32, #tpu.memory_space<hbm>> -> memref<1x3200xi32, #tpu.memory_space<hbm>>
        %dma_start3A_150 = tpu.memref_squeeze %dma_start3A_149 : memref<1x3200xi32, #tpu.memory_space<hbm>> -> memref<3200xi32, #tpu.memory_space<hbm>>
        tpu.enqueue_dma source(%dma_start3A_150 : memref<3200xi32, #tpu.memory_space<hbm>>) target(%arg7 : memref<3200xi32, #tpu.memory_space<vmem>>) target_semaphore(%run_scoped3A : memref<!tpu.dma_semaphore, #tpu.memory_space<semaphore_mem>>)
        %dma_wait3A = tpu.memref_slice %arg3[%mul3A_1, %add3A_140] : memref<4x409600xi32, #tpu.memory_space<hbm>> -> memref<1x3200xi32, #tpu.memory_space<hbm>>
        %dma_wait3A_151 = tpu.memref_squeeze %dma_wait3A : memref<1x3200xi32, #tpu.memory_space<hbm>> -> memref<3200xi32, #tpu.memory_space<hbm>>
        %dma_wait3A_152 = tpu.memref_slice %arg3[%mul3A_1, %add3A_140] : memref<4x409600xi32, #tpu.memory_space<hbm>> -> memref<1x3200xi32, #tpu.memory_space<hbm>>
        %dma_wait3A_153 = tpu.memref_squeeze %dma_wait3A_152 : memref<1x3200xi32, #tpu.memory_space<hbm>> -> memref<3200xi32, #tpu.memory_space<hbm>>
        tpu.wait_dma2 semaphore(%run_scoped3A : memref<!tpu.dma_semaphore, #tpu.memory_space<semaphore_mem>>) src(%dma_wait3A_153 : memref<3200xi32, #tpu.memory_space<hbm>>) dst(%arg7 : memref<3200xi32, #tpu.memory_space<vmem>>)
        tpu.yield
      }) : () -> ()
      %add3A_141 = arith.constant 1 : i32
      %add3A_142 = arith.addi %mul3A_1, %add3A_141 : i32
      "tpu.region"() ({
        %run_scoped3A = tpu.sem_alloc : memref<!tpu.dma_semaphore, #tpu.memory_space<semaphore_mem>>
        %dma_start3A = tpu.memref_slice %arg3[%add3A_142, %add3A_140] : memref<4x409600xi32, #tpu.memory_space<hbm>> -> memref<1x3200xi32, #tpu.memory_space<hbm>>
        %dma_start3A_148 = tpu.memref_squeeze %dma_start3A : memref<1x3200xi32, #tpu.memory_space<hbm>> -> memref<3200xi32, #tpu.memory_space<hbm>>
        %dma_start3A_149 = tpu.memref_slice %arg3[%add3A_142, %add3A_140] : memref<4x409600xi32, #tpu.memory_space<hbm>> -> memref<1x3200xi32, #tpu.memory_space<hbm>>
        %dma_start3A_150 = tpu.memref_squeeze %dma_start3A_149 : memref<1x3200xi32, #tpu.memory_space<hbm>> -> memref<3200xi32, #tpu.memory_space<hbm>>
        tpu.enqueue_dma source(%dma_start3A_150 : memref<3200xi32, #tpu.memory_space<hbm>>) target(%arg8 : memref<3200xi32, #tpu.memory_space<vmem>>) target_semaphore(%run_scoped3A : memref<!tpu.dma_semaphore, #tpu.memory_space<semaphore_mem>>)
        %dma_wait3A = tpu.memref_slice %arg3[%add3A_142, %add3A_140] : memref<4x409600xi32, #tpu.memory_space<hbm>> -> memref<1x3200xi32, #tpu.memory_space<hbm>>
        %dma_wait3A_151 = tpu.memref_squeeze %dma_wait3A : memref<1x3200xi32, #tpu.memory_space<hbm>> -> memref<3200xi32, #tpu.memory_space<hbm>>
        %dma_wait3A_152 = tpu.memref_slice %arg3[%add3A_142, %add3A_140] : memref<4x409600xi32, #tpu.memory_space<hbm>> -> memref<1x3200xi32, #tpu.memory_space<hbm>>
        %dma_wait3A_153 = tpu.memref_squeeze %dma_wait3A_152 : memref<1x3200xi32, #tpu.memory_space<hbm>> -> memref<3200xi32, #tpu.memory_space<hbm>>
        tpu.wait_dma2 semaphore(%run_scoped3A : memref<!tpu.dma_semaphore, #tpu.memory_space<semaphore_mem>>) src(%dma_wait3A_153 : memref<3200xi32, #tpu.memory_space<hbm>>) dst(%arg8 : memref<3200xi32, #tpu.memory_space<vmem>>)
        tpu.yield
      }) : () -> ()
      %scan3A_143 = arith.constant 0 : i32
      %scan3A_144 = arith.constant 200 : i32
      %scan3A_145 = arith.addi %scan3A_143, %scan3A_144 : i32
      %scan3A_146 = arith.constant 1 : i32
      scf.for %scan3A_148 = %scan3A_143 to %scan3A_145 step %scan3A_146  : i32 {
        %mul3A_149 = arith.constant 16 : i32
        %mul3A_150 = arith.muli %scan3A_148, %mul3A_149 : i32
        %add3A_151 = arith.constant 0 : i32
        %add3A_152 = arith.addi %add3A_151, %mul3A_150 : i32
        %get3A = arith.index_cast %add3A_152 : i32 to index
        %get3A_153 = tpu.vector_load %arg7[%get3A] {strides = array<i32>} : memref<3200xi32, #tpu.memory_space<vmem>>, vector<16xi32>,
        %get3A_154 = arith.index_cast %add3A_152 : i32 to index
        %get3A_155 = tpu.vector_load %arg8[%get3A_154] {strides = array<i32>} : memref<3200xi32, #tpu.memory_space<vmem>>, vector<16xi32>,
        %gather3A = tpu.vector_load_idx %arg5[%get3A_153] : memref<50176xf32, #tpu.memory_space<vmem>>[vector<16xi32>], vector<16xf32>,
        tpu.vector_store_idx %arg6[%get3A_155], %gather3A {add = true} : memref<50176xf32, #tpu.memory_space<vmem>>[vector<16xi32>], vector<16xf32>,
      }
      %scan3A_147 = arith.constant 200 : i32
    }
    %scan3A_33 = arith.constant 128 : i32
    "tpu.region"() ({
      %run_scoped3A = tpu.sem_alloc : memref<!tpu.dma_semaphore, #tpu.memory_space<semaphore_mem>>
      %dma_start3A = arith.constant 0 : i32
      %dma_start3A_136 = tpu.memref_slice %arg4[%add3A_23, %dma_start3A] : memref<256x50176xf32, #tpu.memory_space<hbm>> -> memref<1x50176xf32, #tpu.memory_space<hbm>>
      %dma_start3A_137 = tpu.memref_squeeze %dma_start3A_136 : memref<1x50176xf32, #tpu.memory_space<hbm>> -> memref<50176xf32, #tpu.memory_space<hbm>>
      %dma_start3A_138 = arith.constant 0 : i32
      %dma_start3A_139 = tpu.memref_slice %arg4[%add3A_23, %dma_start3A_138] : memref<256x50176xf32, #tpu.memory_space<hbm>> -> memref<1x50176xf32, #tpu.memory_space<hbm>>
      %dma_start3A_140 = tpu.memref_squeeze %dma_start3A_139 : memref<1x50176xf32, #tpu.memory_space<hbm>> -> memref<50176xf32, #tpu.memory_space<hbm>>
      tpu.enqueue_dma source(%arg6 : memref<50176xf32, #tpu.memory_space<vmem>>) target(%dma_start3A_140 : memref<50176xf32, #tpu.memory_space<hbm>>) target_semaphore(%run_scoped3A : memref<!tpu.dma_semaphore, #tpu.memory_space<semaphore_mem>>)
      %dma_wait3A = arith.constant 0 : i32
      %dma_wait3A_141 = tpu.memref_slice %arg4[%add3A_23, %dma_wait3A] : memref<256x50176xf32, #tpu.memory_space<hbm>> -> memref<1x50176xf32, #tpu.memory_space<hbm>>
      %dma_wait3A_142 = tpu.memref_squeeze %dma_wait3A_141 : memref<1x50176xf32, #tpu.memory_space<hbm>> -> memref<50176xf32, #tpu.memory_space<hbm>>
      %dma_wait3A_143 = arith.constant 0 : i32
      %dma_wait3A_144 = tpu.memref_slice %arg4[%add3A_23, %dma_wait3A_143] : memref<256x50176xf32, #tpu.memory_space<hbm>> -> memref<1x50176xf32, #tpu.memory_space<hbm>>
      %dma_wait3A_145 = tpu.memref_squeeze %dma_wait3A_144 : memref<1x50176xf32, #tpu.memory_space<hbm>> -> memref<50176xf32, #tpu.memory_space<hbm>>
      tpu.wait_dma2 semaphore(%run_scoped3A : memref<!tpu.dma_semaphore, #tpu.memory_space<semaphore_mem>>) src(%arg6 : memref<50176xf32, #tpu.memory_space<vmem>>) dst(%dma_wait3A_145 : memref<50176xf32, #tpu.memory_space<hbm>>)
      tpu.yield
    }) : () -> ()
    %mul3A_34 = arith.constant 128 : i32
    %mul3A_35 = arith.muli %arg0, %mul3A_34 : i32
    %mul3A_36 = arith.constant 8 : i32
    %mul3A_37 = arith.muli %arg1, %mul3A_36 : i32
    %add3A_38 = arith.addi %mul3A_35, %mul3A_37 : i32
    %add3A_39 = arith.constant 2 : i32
    %add3A_40 = arith.addi %add3A_38, %add3A_39 : i32
    "tpu.region"() ({
      %run_scoped3A = tpu.sem_alloc : memref<!tpu.dma_semaphore, #tpu.memory_space<semaphore_mem>>
      %dma_start3A = arith.constant 0 : i32
      %dma_start3A_136 = tpu.memref_slice %arg2[%add3A_40, %dma_start3A] : memref<256x50176xf32, #tpu.memory_space<hbm>> -> memref<1x50176xf32, #tpu.memory_space<hbm>>
      %dma_start3A_137 = tpu.memref_squeeze %dma_start3A_136 : memref<1x50176xf32, #tpu.memory_space<hbm>> -> memref<50176xf32, #tpu.memory_space<hbm>>
      %dma_start3A_138 = arith.constant 0 : i32
      %dma_start3A_139 = tpu.memref_slice %arg2[%add3A_40, %dma_start3A_138] : memref<256x50176xf32, #tpu.memory_space<hbm>> -> memref<1x50176xf32, #tpu.memory_space<hbm>>
      %dma_start3A_140 = tpu.memref_squeeze %dma_start3A_139 : memref<1x50176xf32, #tpu.memory_space<hbm>> -> memref<50176xf32, #tpu.memory_space<hbm>>
      tpu.enqueue_dma source(%dma_start3A_140 : memref<50176xf32, #tpu.memory_space<hbm>>) target(%arg5 : memref<50176xf32, #tpu.memory_space<vmem>>) target_semaphore(%run_scoped3A : memref<!tpu.dma_semaphore, #tpu.memory_space<semaphore_mem>>)
      %dma_wait3A = arith.constant 0 : i32
      %dma_wait3A_141 = tpu.memref_slice %arg2[%add3A_40, %dma_wait3A] : memref<256x50176xf32, #tpu.memory_space<hbm>> -> memref<1x50176xf32, #tpu.memory_space<hbm>>
      %dma_wait3A_142 = tpu.memref_squeeze %dma_wait3A_141 : memref<1x50176xf32, #tpu.memory_space<hbm>> -> memref<50176xf32, #tpu.memory_space<hbm>>
      %dma_wait3A_143 = arith.constant 0 : i32
      %dma_wait3A_144 = tpu.memref_slice %arg2[%add3A_40, %dma_wait3A_143] : memref<256x50176xf32, #tpu.memory_space<hbm>> -> memref<1x50176xf32, #tpu.memory_space<hbm>>
      %dma_wait3A_145 = tpu.memref_squeeze %dma_wait3A_144 : memref<1x50176xf32, #tpu.memory_space<hbm>> -> memref<50176xf32, #tpu.memory_space<hbm>>
      tpu.wait_dma2 semaphore(%run_scoped3A : memref<!tpu.dma_semaphore, #tpu.memory_space<semaphore_mem>>) src(%dma_wait3A_145 : memref<50176xf32, #tpu.memory_space<hbm>>) dst(%arg5 : memref<50176xf32, #tpu.memory_space<vmem>>)
      tpu.yield
    }) : () -> ()
    %scan3A_41 = arith.constant 0 : i32
    %scan3A_42 = arith.constant 3136 : i32
    %scan3A_43 = arith.addi %scan3A_41, %scan3A_42 : i32
    %scan3A_44 = arith.constant 1 : i32
    scf.for %scan3A_136 = %scan3A_41 to %scan3A_43 step %scan3A_44  : i32 {
      %mul3A_137 = arith.constant 16 : i32
      %mul3A_138 = arith.muli %scan3A_136, %mul3A_137 : i32
      %add3A_139 = arith.constant 0 : i32
      %add3A_140 = arith.addi %add3A_139, %mul3A_138 : i32
      %swap3A = arith.index_cast %add3A_140 : i32 to index
      %swap3A_141 = tpu.vector_load %arg6[%swap3A] {strides = array<i32>} : memref<50176xf32, #tpu.memory_space<vmem>>, vector<16xf32>,
      tpu.vector_store %arg6[%swap3A], %broadcast_in_dim3A_0 {strides = array<i32>} : memref<50176xf32, #tpu.memory_space<vmem>>, vector<16xf32>,
    }
    %scan3A_45 = arith.constant 3136 : i32
    %scan3A_46 = arith.constant 0 : i32
    %scan3A_47 = arith.constant 128 : i32
    %scan3A_48 = arith.addi %scan3A_46, %scan3A_47 : i32
    %scan3A_49 = arith.constant 1 : i32
    scf.for %scan3A_136 = %scan3A_46 to %scan3A_48 step %scan3A_49  : i32 {
      %mul3A_137 = arith.constant 3200 : i32
      %mul3A_138 = arith.muli %scan3A_136, %mul3A_137 : i32
      %add3A_139 = arith.constant 0 : i32
      %add3A_140 = arith.addi %add3A_139, %mul3A_138 : i32
      "tpu.region"() ({
        %run_scoped3A = tpu.sem_alloc : memref<!tpu.dma_semaphore, #tpu.memory_space<semaphore_mem>>
        %dma_start3A = tpu.memref_slice %arg3[%mul3A_1, %add3A_140] : memref<4x409600xi32, #tpu.memory_space<hbm>> -> memref<1x3200xi32, #tpu.memory_space<hbm>>
        %dma_start3A_148 = tpu.memref_squeeze %dma_start3A : memref<1x3200xi32, #tpu.memory_space<hbm>> -> memref<3200xi32, #tpu.memory_space<hbm>>
        %dma_start3A_149 = tpu.memref_slice %arg3[%mul3A_1, %add3A_140] : memref<4x409600xi32, #tpu.memory_space<hbm>> -> memref<1x3200xi32, #tpu.memory_space<hbm>>
        %dma_start3A_150 = tpu.memref_squeeze %dma_start3A_149 : memref<1x3200xi32, #tpu.memory_space<hbm>> -> memref<3200xi32, #tpu.memory_space<hbm>>
        tpu.enqueue_dma source(%dma_start3A_150 : memref<3200xi32, #tpu.memory_space<hbm>>) target(%arg7 : memref<3200xi32, #tpu.memory_space<vmem>>) target_semaphore(%run_scoped3A : memref<!tpu.dma_semaphore, #tpu.memory_space<semaphore_mem>>)
        %dma_wait3A = tpu.memref_slice %arg3[%mul3A_1, %add3A_140] : memref<4x409600xi32, #tpu.memory_space<hbm>> -> memref<1x3200xi32, #tpu.memory_space<hbm>>
        %dma_wait3A_151 = tpu.memref_squeeze %dma_wait3A : memref<1x3200xi32, #tpu.memory_space<hbm>> -> memref<3200xi32, #tpu.memory_space<hbm>>
        %dma_wait3A_152 = tpu.memref_slice %arg3[%mul3A_1, %add3A_140] : memref<4x409600xi32, #tpu.memory_space<hbm>> -> memref<1x3200xi32, #tpu.memory_space<hbm>>
        %dma_wait3A_153 = tpu.memref_squeeze %dma_wait3A_152 : memref<1x3200xi32, #tpu.memory_space<hbm>> -> memref<3200xi32, #tpu.memory_space<hbm>>
        tpu.wait_dma2 semaphore(%run_scoped3A : memref<!tpu.dma_semaphore, #tpu.memory_space<semaphore_mem>>) src(%dma_wait3A_153 : memref<3200xi32, #tpu.memory_space<hbm>>) dst(%arg7 : memref<3200xi32, #tpu.memory_space<vmem>>)
        tpu.yield
      }) : () -> ()
      %add3A_141 = arith.constant 1 : i32
      %add3A_142 = arith.addi %mul3A_1, %add3A_141 : i32
      "tpu.region"() ({
        %run_scoped3A = tpu.sem_alloc : memref<!tpu.dma_semaphore, #tpu.memory_space<semaphore_mem>>
        %dma_start3A = tpu.memref_slice %arg3[%add3A_142, %add3A_140] : memref<4x409600xi32, #tpu.memory_space<hbm>> -> memref<1x3200xi32, #tpu.memory_space<hbm>>
        %dma_start3A_148 = tpu.memref_squeeze %dma_start3A : memref<1x3200xi32, #tpu.memory_space<hbm>> -> memref<3200xi32, #tpu.memory_space<hbm>>
        %dma_start3A_149 = tpu.memref_slice %arg3[%add3A_142, %add3A_140] : memref<4x409600xi32, #tpu.memory_space<hbm>> -> memref<1x3200xi32, #tpu.memory_space<hbm>>
        %dma_start3A_150 = tpu.memref_squeeze %dma_start3A_149 : memref<1x3200xi32, #tpu.memory_space<hbm>> -> memref<3200xi32, #tpu.memory_space<hbm>>
        tpu.enqueue_dma source(%dma_start3A_150 : memref<3200xi32, #tpu.memory_space<hbm>>) target(%arg8 : memref<3200xi32, #tpu.memory_space<vmem>>) target_semaphore(%run_scoped3A : memref<!tpu.dma_semaphore, #tpu.memory_space<semaphore_mem>>)
        %dma_wait3A = tpu.memref_slice %arg3[%add3A_142, %add3A_140] : memref<4x409600xi32, #tpu.memory_space<hbm>> -> memref<1x3200xi32, #tpu.memory_space<hbm>>
        %dma_wait3A_151 = tpu.memref_squeeze %dma_wait3A : memref<1x3200xi32, #tpu.memory_space<hbm>> -> memref<3200xi32, #tpu.memory_space<hbm>>
        %dma_wait3A_152 = tpu.memref_slice %arg3[%add3A_142, %add3A_140] : memref<4x409600xi32, #tpu.memory_space<hbm>> -> memref<1x3200xi32, #tpu.memory_space<hbm>>
        %dma_wait3A_153 = tpu.memref_squeeze %dma_wait3A_152 : memref<1x3200xi32, #tpu.memory_space<hbm>> -> memref<3200xi32, #tpu.memory_space<hbm>>
        tpu.wait_dma2 semaphore(%run_scoped3A : memref<!tpu.dma_semaphore, #tpu.memory_space<semaphore_mem>>) src(%dma_wait3A_153 : memref<3200xi32, #tpu.memory_space<hbm>>) dst(%arg8 : memref<3200xi32, #tpu.memory_space<vmem>>)
        tpu.yield
      }) : () -> ()
      %scan3A_143 = arith.constant 0 : i32
      %scan3A_144 = arith.constant 200 : i32
      %scan3A_145 = arith.addi %scan3A_143, %scan3A_144 : i32
      %scan3A_146 = arith.constant 1 : i32
      scf.for %scan3A_148 = %scan3A_143 to %scan3A_145 step %scan3A_146  : i32 {
        %mul3A_149 = arith.constant 16 : i32
        %mul3A_150 = arith.muli %scan3A_148, %mul3A_149 : i32
        %add3A_151 = arith.constant 0 : i32
        %add3A_152 = arith.addi %add3A_151, %mul3A_150 : i32
        %get3A = arith.index_cast %add3A_152 : i32 to index
        %get3A_153 = tpu.vector_load %arg7[%get3A] {strides = array<i32>} : memref<3200xi32, #tpu.memory_space<vmem>>, vector<16xi32>,
        %get3A_154 = arith.index_cast %add3A_152 : i32 to index
        %get3A_155 = tpu.vector_load %arg8[%get3A_154] {strides = array<i32>} : memref<3200xi32, #tpu.memory_space<vmem>>, vector<16xi32>,
        %gather3A = tpu.vector_load_idx %arg5[%get3A_153] : memref<50176xf32, #tpu.memory_space<vmem>>[vector<16xi32>], vector<16xf32>,
        tpu.vector_store_idx %arg6[%get3A_155], %gather3A {add = true} : memref<50176xf32, #tpu.memory_space<vmem>>[vector<16xi32>], vector<16xf32>,
      }
      %scan3A_147 = arith.constant 200 : i32
    }
    %scan3A_50 = arith.constant 128 : i32
    "tpu.region"() ({
      %run_scoped3A = tpu.sem_alloc : memref<!tpu.dma_semaphore, #tpu.memory_space<semaphore_mem>>
      %dma_start3A = arith.constant 0 : i32
      %dma_start3A_136 = tpu.memref_slice %arg4[%add3A_40, %dma_start3A] : memref<256x50176xf32, #tpu.memory_space<hbm>> -> memref<1x50176xf32, #tpu.memory_space<hbm>>
      %dma_start3A_137 = tpu.memref_squeeze %dma_start3A_136 : memref<1x50176xf32, #tpu.memory_space<hbm>> -> memref<50176xf32, #tpu.memory_space<hbm>>
      %dma_start3A_138 = arith.constant 0 : i32
      %dma_start3A_139 = tpu.memref_slice %arg4[%add3A_40, %dma_start3A_138] : memref<256x50176xf32, #tpu.memory_space<hbm>> -> memref<1x50176xf32, #tpu.memory_space<hbm>>
      %dma_start3A_140 = tpu.memref_squeeze %dma_start3A_139 : memref<1x50176xf32, #tpu.memory_space<hbm>> -> memref<50176xf32, #tpu.memory_space<hbm>>
      tpu.enqueue_dma source(%arg6 : memref<50176xf32, #tpu.memory_space<vmem>>) target(%dma_start3A_140 : memref<50176xf32, #tpu.memory_space<hbm>>) target_semaphore(%run_scoped3A : memref<!tpu.dma_semaphore, #tpu.memory_space<semaphore_mem>>)
      %dma_wait3A = arith.constant 0 : i32
      %dma_wait3A_141 = tpu.memref_slice %arg4[%add3A_40, %dma_wait3A] : memref<256x50176xf32, #tpu.memory_space<hbm>> -> memref<1x50176xf32, #tpu.memory_space<hbm>>
      %dma_wait3A_142 = tpu.memref_squeeze %dma_wait3A_141 : memref<1x50176xf32, #tpu.memory_space<hbm>> -> memref<50176xf32, #tpu.memory_space<hbm>>
      %dma_wait3A_143 = arith.constant 0 : i32
      %dma_wait3A_144 = tpu.memref_slice %arg4[%add3A_40, %dma_wait3A_143] : memref<256x50176xf32, #tpu.memory_space<hbm>> -> memref<1x50176xf32, #tpu.memory_space<hbm>>
      %dma_wait3A_145 = tpu.memref_squeeze %dma_wait3A_144 : memref<1x50176xf32, #tpu.memory_space<hbm>> -> memref<50176xf32, #tpu.memory_space<hbm>>
      tpu.wait_dma2 semaphore(%run_scoped3A : memref<!tpu.dma_semaphore, #tpu.memory_space<semaphore_mem>>) src(%arg6 : memref<50176xf32, #tpu.memory_space<vmem>>) dst(%dma_wait3A_145 : memref<50176xf32, #tpu.memory_space<hbm>>)
      tpu.yield
    }) : () -> ()
    %mul3A_51 = arith.constant 128 : i32
    %mul3A_52 = arith.muli %arg0, %mul3A_51 : i32
    %mul3A_53 = arith.constant 8 : i32
    %mul3A_54 = arith.muli %arg1, %mul3A_53 : i32
    %add3A_55 = arith.addi %mul3A_52, %mul3A_54 : i32
    %add3A_56 = arith.constant 3 : i32
    %add3A_57 = arith.addi %add3A_55, %add3A_56 : i32
    "tpu.region"() ({
      %run_scoped3A = tpu.sem_alloc : memref<!tpu.dma_semaphore, #tpu.memory_space<semaphore_mem>>
      %dma_start3A = arith.constant 0 : i32
      %dma_start3A_136 = tpu.memref_slice %arg2[%add3A_57, %dma_start3A] : memref<256x50176xf32, #tpu.memory_space<hbm>> -> memref<1x50176xf32, #tpu.memory_space<hbm>>
      %dma_start3A_137 = tpu.memref_squeeze %dma_start3A_136 : memref<1x50176xf32, #tpu.memory_space<hbm>> -> memref<50176xf32, #tpu.memory_space<hbm>>
      %dma_start3A_138 = arith.constant 0 : i32
      %dma_start3A_139 = tpu.memref_slice %arg2[%add3A_57, %dma_start3A_138] : memref<256x50176xf32, #tpu.memory_space<hbm>> -> memref<1x50176xf32, #tpu.memory_space<hbm>>
      %dma_start3A_140 = tpu.memref_squeeze %dma_start3A_139 : memref<1x50176xf32, #tpu.memory_space<hbm>> -> memref<50176xf32, #tpu.memory_space<hbm>>
      tpu.enqueue_dma source(%dma_start3A_140 : memref<50176xf32, #tpu.memory_space<hbm>>) target(%arg5 : memref<50176xf32, #tpu.memory_space<vmem>>) target_semaphore(%run_scoped3A : memref<!tpu.dma_semaphore, #tpu.memory_space<semaphore_mem>>)
      %dma_wait3A = arith.constant 0 : i32
      %dma_wait3A_141 = tpu.memref_slice %arg2[%add3A_57, %dma_wait3A] : memref<256x50176xf32, #tpu.memory_space<hbm>> -> memref<1x50176xf32, #tpu.memory_space<hbm>>
      %dma_wait3A_142 = tpu.memref_squeeze %dma_wait3A_141 : memref<1x50176xf32, #tpu.memory_space<hbm>> -> memref<50176xf32, #tpu.memory_space<hbm>>
      %dma_wait3A_143 = arith.constant 0 : i32
      %dma_wait3A_144 = tpu.memref_slice %arg2[%add3A_57, %dma_wait3A_143] : memref<256x50176xf32, #tpu.memory_space<hbm>> -> memref<1x50176xf32, #tpu.memory_space<hbm>>
      %dma_wait3A_145 = tpu.memref_squeeze %dma_wait3A_144 : memref<1x50176xf32, #tpu.memory_space<hbm>> -> memref<50176xf32, #tpu.memory_space<hbm>>
      tpu.wait_dma2 semaphore(%run_scoped3A : memref<!tpu.dma_semaphore, #tpu.memory_space<semaphore_mem>>) src(%dma_wait3A_145 : memref<50176xf32, #tpu.memory_space<hbm>>) dst(%arg5 : memref<50176xf32, #tpu.memory_space<vmem>>)
      tpu.yield
    }) : () -> ()
    %scan3A_58 = arith.constant 0 : i32
    %scan3A_59 = arith.constant 3136 : i32
    %scan3A_60 = arith.addi %scan3A_58, %scan3A_59 : i32
    %scan3A_61 = arith.constant 1 : i32
    scf.for %scan3A_136 = %scan3A_58 to %scan3A_60 step %scan3A_61  : i32 {
      %mul3A_137 = arith.constant 16 : i32
      %mul3A_138 = arith.muli %scan3A_136, %mul3A_137 : i32
      %add3A_139 = arith.constant 0 : i32
      %add3A_140 = arith.addi %add3A_139, %mul3A_138 : i32
      %swap3A = arith.index_cast %add3A_140 : i32 to index
      %swap3A_141 = tpu.vector_load %arg6[%swap3A] {strides = array<i32>} : memref<50176xf32, #tpu.memory_space<vmem>>, vector<16xf32>,
      tpu.vector_store %arg6[%swap3A], %broadcast_in_dim3A_0 {strides = array<i32>} : memref<50176xf32, #tpu.memory_space<vmem>>, vector<16xf32>,
    }
    %scan3A_62 = arith.constant 3136 : i32
    %scan3A_63 = arith.constant 0 : i32
    %scan3A_64 = arith.constant 128 : i32
    %scan3A_65 = arith.addi %scan3A_63, %scan3A_64 : i32
    %scan3A_66 = arith.constant 1 : i32
    scf.for %scan3A_136 = %scan3A_63 to %scan3A_65 step %scan3A_66  : i32 {
      %mul3A_137 = arith.constant 3200 : i32
      %mul3A_138 = arith.muli %scan3A_136, %mul3A_137 : i32
      %add3A_139 = arith.constant 0 : i32
      %add3A_140 = arith.addi %add3A_139, %mul3A_138 : i32
      "tpu.region"() ({
        %run_scoped3A = tpu.sem_alloc : memref<!tpu.dma_semaphore, #tpu.memory_space<semaphore_mem>>
        %dma_start3A = tpu.memref_slice %arg3[%mul3A_1, %add3A_140] : memref<4x409600xi32, #tpu.memory_space<hbm>> -> memref<1x3200xi32, #tpu.memory_space<hbm>>
        %dma_start3A_148 = tpu.memref_squeeze %dma_start3A : memref<1x3200xi32, #tpu.memory_space<hbm>> -> memref<3200xi32, #tpu.memory_space<hbm>>
        %dma_start3A_149 = tpu.memref_slice %arg3[%mul3A_1, %add3A_140] : memref<4x409600xi32, #tpu.memory_space<hbm>> -> memref<1x3200xi32, #tpu.memory_space<hbm>>
        %dma_start3A_150 = tpu.memref_squeeze %dma_start3A_149 : memref<1x3200xi32, #tpu.memory_space<hbm>> -> memref<3200xi32, #tpu.memory_space<hbm>>
        tpu.enqueue_dma source(%dma_start3A_150 : memref<3200xi32, #tpu.memory_space<hbm>>) target(%arg7 : memref<3200xi32, #tpu.memory_space<vmem>>) target_semaphore(%run_scoped3A : memref<!tpu.dma_semaphore, #tpu.memory_space<semaphore_mem>>)
        %dma_wait3A = tpu.memref_slice %arg3[%mul3A_1, %add3A_140] : memref<4x409600xi32, #tpu.memory_space<hbm>> -> memref<1x3200xi32, #tpu.memory_space<hbm>>
        %dma_wait3A_151 = tpu.memref_squeeze %dma_wait3A : memref<1x3200xi32, #tpu.memory_space<hbm>> -> memref<3200xi32, #tpu.memory_space<hbm>>
        %dma_wait3A_152 = tpu.memref_slice %arg3[%mul3A_1, %add3A_140] : memref<4x409600xi32, #tpu.memory_space<hbm>> -> memref<1x3200xi32, #tpu.memory_space<hbm>>
        %dma_wait3A_153 = tpu.memref_squeeze %dma_wait3A_152 : memref<1x3200xi32, #tpu.memory_space<hbm>> -> memref<3200xi32, #tpu.memory_space<hbm>>
        tpu.wait_dma2 semaphore(%run_scoped3A : memref<!tpu.dma_semaphore, #tpu.memory_space<semaphore_mem>>) src(%dma_wait3A_153 : memref<3200xi32, #tpu.memory_space<hbm>>) dst(%arg7 : memref<3200xi32, #tpu.memory_space<vmem>>)
        tpu.yield
      }) : () -> ()
      %add3A_141 = arith.constant 1 : i32
      %add3A_142 = arith.addi %mul3A_1, %add3A_141 : i32
      "tpu.region"() ({
        %run_scoped3A = tpu.sem_alloc : memref<!tpu.dma_semaphore, #tpu.memory_space<semaphore_mem>>
        %dma_start3A = tpu.memref_slice %arg3[%add3A_142, %add3A_140] : memref<4x409600xi32, #tpu.memory_space<hbm>> -> memref<1x3200xi32, #tpu.memory_space<hbm>>
        %dma_start3A_148 = tpu.memref_squeeze %dma_start3A : memref<1x3200xi32, #tpu.memory_space<hbm>> -> memref<3200xi32, #tpu.memory_space<hbm>>
        %dma_start3A_149 = tpu.memref_slice %arg3[%add3A_142, %add3A_140] : memref<4x409600xi32, #tpu.memory_space<hbm>> -> memref<1x3200xi32, #tpu.memory_space<hbm>>
        %dma_start3A_150 = tpu.memref_squeeze %dma_start3A_149 : memref<1x3200xi32, #tpu.memory_space<hbm>> -> memref<3200xi32, #tpu.memory_space<hbm>>
        tpu.enqueue_dma source(%dma_start3A_150 : memref<3200xi32, #tpu.memory_space<hbm>>) target(%arg8 : memref<3200xi32, #tpu.memory_space<vmem>>) target_semaphore(%run_scoped3A : memref<!tpu.dma_semaphore, #tpu.memory_space<semaphore_mem>>)
        %dma_wait3A = tpu.memref_slice %arg3[%add3A_142, %add3A_140] : memref<4x409600xi32, #tpu.memory_space<hbm>> -> memref<1x3200xi32, #tpu.memory_space<hbm>>
        %dma_wait3A_151 = tpu.memref_squeeze %dma_wait3A : memref<1x3200xi32, #tpu.memory_space<hbm>> -> memref<3200xi32, #tpu.memory_space<hbm>>
        %dma_wait3A_152 = tpu.memref_slice %arg3[%add3A_142, %add3A_140] : memref<4x409600xi32, #tpu.memory_space<hbm>> -> memref<1x3200xi32, #tpu.memory_space<hbm>>
        %dma_wait3A_153 = tpu.memref_squeeze %dma_wait3A_152 : memref<1x3200xi32, #tpu.memory_space<hbm>> -> memref<3200xi32, #tpu.memory_space<hbm>>
        tpu.wait_dma2 semaphore(%run_scoped3A : memref<!tpu.dma_semaphore, #tpu.memory_space<semaphore_mem>>) src(%dma_wait3A_153 : memref<3200xi32, #tpu.memory_space<hbm>>) dst(%arg8 : memref<3200xi32, #tpu.memory_space<vmem>>)
        tpu.yield
      }) : () -> ()
      %scan3A_143 = arith.constant 0 : i32
      %scan3A_144 = arith.constant 200 : i32
      %scan3A_145 = arith.addi %scan3A_143, %scan3A_144 : i32
      %scan3A_146 = arith.constant 1 : i32
      scf.for %scan3A_148 = %scan3A_143 to %scan3A_145 step %scan3A_146  : i32 {
        %mul3A_149 = arith.constant 16 : i32
        %mul3A_150 = arith.muli %scan3A_148, %mul3A_149 : i32
        %add3A_151 = arith.constant 0 : i32
        %add3A_152 = arith.addi %add3A_151, %mul3A_150 : i32
        %get3A = arith.index_cast %add3A_152 : i32 to index
        %get3A_153 = tpu.vector_load %arg7[%get3A] {strides = array<i32>} : memref<3200xi32, #tpu.memory_space<vmem>>, vector<16xi32>,
        %get3A_154 = arith.index_cast %add3A_152 : i32 to index
        %get3A_155 = tpu.vector_load %arg8[%get3A_154] {strides = array<i32>} : memref<3200xi32, #tpu.memory_space<vmem>>, vector<16xi32>,
        %gather3A = tpu.vector_load_idx %arg5[%get3A_153] : memref<50176xf32, #tpu.memory_space<vmem>>[vector<16xi32>], vector<16xf32>,
        tpu.vector_store_idx %arg6[%get3A_155], %gather3A {add = true} : memref<50176xf32, #tpu.memory_space<vmem>>[vector<16xi32>], vector<16xf32>,
      }
      %scan3A_147 = arith.constant 200 : i32
    }
    %scan3A_67 = arith.constant 128 : i32
    "tpu.region"() ({
      %run_scoped3A = tpu.sem_alloc : memref<!tpu.dma_semaphore, #tpu.memory_space<semaphore_mem>>
      %dma_start3A = arith.constant 0 : i32
      %dma_start3A_136 = tpu.memref_slice %arg4[%add3A_57, %dma_start3A] : memref<256x50176xf32, #tpu.memory_space<hbm>> -> memref<1x50176xf32, #tpu.memory_space<hbm>>
      %dma_start3A_137 = tpu.memref_squeeze %dma_start3A_136 : memref<1x50176xf32, #tpu.memory_space<hbm>> -> memref<50176xf32, #tpu.memory_space<hbm>>
      %dma_start3A_138 = arith.constant 0 : i32
      %dma_start3A_139 = tpu.memref_slice %arg4[%add3A_57, %dma_start3A_138] : memref<256x50176xf32, #tpu.memory_space<hbm>> -> memref<1x50176xf32, #tpu.memory_space<hbm>>
      %dma_start3A_140 = tpu.memref_squeeze %dma_start3A_139 : memref<1x50176xf32, #tpu.memory_space<hbm>> -> memref<50176xf32, #tpu.memory_space<hbm>>
      tpu.enqueue_dma source(%arg6 : memref<50176xf32, #tpu.memory_space<vmem>>) target(%dma_start3A_140 : memref<50176xf32, #tpu.memory_space<hbm>>) target_semaphore(%run_scoped3A : memref<!tpu.dma_semaphore, #tpu.memory_space<semaphore_mem>>)
      %dma_wait3A = arith.constant 0 : i32
      %dma_wait3A_141 = tpu.memref_slice %arg4[%add3A_57, %dma_wait3A] : memref<256x50176xf32, #tpu.memory_space<hbm>> -> memref<1x50176xf32, #tpu.memory_space<hbm>>
      %dma_wait3A_142 = tpu.memref_squeeze %dma_wait3A_141 : memref<1x50176xf32, #tpu.memory_space<hbm>> -> memref<50176xf32, #tpu.memory_space<hbm>>
      %dma_wait3A_143 = arith.constant 0 : i32
      %dma_wait3A_144 = tpu.memref_slice %arg4[%add3A_57, %dma_wait3A_143] : memref<256x50176xf32, #tpu.memory_space<hbm>> -> memref<1x50176xf32, #tpu.memory_space<hbm>>
      %dma_wait3A_145 = tpu.memref_squeeze %dma_wait3A_144 : memref<1x50176xf32, #tpu.memory_space<hbm>> -> memref<50176xf32, #tpu.memory_space<hbm>>
      tpu.wait_dma2 semaphore(%run_scoped3A : memref<!tpu.dma_semaphore, #tpu.memory_space<semaphore_mem>>) src(%arg6 : memref<50176xf32, #tpu.memory_space<vmem>>) dst(%dma_wait3A_145 : memref<50176xf32, #tpu.memory_space<hbm>>)
      tpu.yield
    }) : () -> ()
    %mul3A_68 = arith.constant 128 : i32
    %mul3A_69 = arith.muli %arg0, %mul3A_68 : i32
    %mul3A_70 = arith.constant 8 : i32
    %mul3A_71 = arith.muli %arg1, %mul3A_70 : i32
    %add3A_72 = arith.addi %mul3A_69, %mul3A_71 : i32
    %add3A_73 = arith.constant 4 : i32
    %add3A_74 = arith.addi %add3A_72, %add3A_73 : i32
    "tpu.region"() ({
      %run_scoped3A = tpu.sem_alloc : memref<!tpu.dma_semaphore, #tpu.memory_space<semaphore_mem>>
      %dma_start3A = arith.constant 0 : i32
      %dma_start3A_136 = tpu.memref_slice %arg2[%add3A_74, %dma_start3A] : memref<256x50176xf32, #tpu.memory_space<hbm>> -> memref<1x50176xf32, #tpu.memory_space<hbm>>
      %dma_start3A_137 = tpu.memref_squeeze %dma_start3A_136 : memref<1x50176xf32, #tpu.memory_space<hbm>> -> memref<50176xf32, #tpu.memory_space<hbm>>
      %dma_start3A_138 = arith.constant 0 : i32
      %dma_start3A_139 = tpu.memref_slice %arg2[%add3A_74, %dma_start3A_138] : memref<256x50176xf32, #tpu.memory_space<hbm>> -> memref<1x50176xf32, #tpu.memory_space<hbm>>
      %dma_start3A_140 = tpu.memref_squeeze %dma_start3A_139 : memref<1x50176xf32, #tpu.memory_space<hbm>> -> memref<50176xf32, #tpu.memory_space<hbm>>
      tpu.enqueue_dma source(%dma_start3A_140 : memref<50176xf32, #tpu.memory_space<hbm>>) target(%arg5 : memref<50176xf32, #tpu.memory_space<vmem>>) target_semaphore(%run_scoped3A : memref<!tpu.dma_semaphore, #tpu.memory_space<semaphore_mem>>)
      %dma_wait3A = arith.constant 0 : i32
      %dma_wait3A_141 = tpu.memref_slice %arg2[%add3A_74, %dma_wait3A] : memref<256x50176xf32, #tpu.memory_space<hbm>> -> memref<1x50176xf32, #tpu.memory_space<hbm>>
      %dma_wait3A_142 = tpu.memref_squeeze %dma_wait3A_141 : memref<1x50176xf32, #tpu.memory_space<hbm>> -> memref<50176xf32, #tpu.memory_space<hbm>>
      %dma_wait3A_143 = arith.constant 0 : i32
      %dma_wait3A_144 = tpu.memref_slice %arg2[%add3A_74, %dma_wait3A_143] : memref<256x50176xf32, #tpu.memory_space<hbm>> -> memref<1x50176xf32, #tpu.memory_space<hbm>>
      %dma_wait3A_145 = tpu.memref_squeeze %dma_wait3A_144 : memref<1x50176xf32, #tpu.memory_space<hbm>> -> memref<50176xf32, #tpu.memory_space<hbm>>
      tpu.wait_dma2 semaphore(%run_scoped3A : memref<!tpu.dma_semaphore, #tpu.memory_space<semaphore_mem>>) src(%dma_wait3A_145 : memref<50176xf32, #tpu.memory_space<hbm>>) dst(%arg5 : memref<50176xf32, #tpu.memory_space<vmem>>)
      tpu.yield
    }) : () -> ()
    %scan3A_75 = arith.constant 0 : i32
    %scan3A_76 = arith.constant 3136 : i32
    %scan3A_77 = arith.addi %scan3A_75, %scan3A_76 : i32
    %scan3A_78 = arith.constant 1 : i32
    scf.for %scan3A_136 = %scan3A_75 to %scan3A_77 step %scan3A_78  : i32 {
      %mul3A_137 = arith.constant 16 : i32
      %mul3A_138 = arith.muli %scan3A_136, %mul3A_137 : i32
      %add3A_139 = arith.constant 0 : i32
      %add3A_140 = arith.addi %add3A_139, %mul3A_138 : i32
      %swap3A = arith.index_cast %add3A_140 : i32 to index
      %swap3A_141 = tpu.vector_load %arg6[%swap3A] {strides = array<i32>} : memref<50176xf32, #tpu.memory_space<vmem>>, vector<16xf32>,
      tpu.vector_store %arg6[%swap3A], %broadcast_in_dim3A_0 {strides = array<i32>} : memref<50176xf32, #tpu.memory_space<vmem>>, vector<16xf32>,
    }
    %scan3A_79 = arith.constant 3136 : i32
    %scan3A_80 = arith.constant 0 : i32
    %scan3A_81 = arith.constant 128 : i32
    %scan3A_82 = arith.addi %scan3A_80, %scan3A_81 : i32
    %scan3A_83 = arith.constant 1 : i32
    scf.for %scan3A_136 = %scan3A_80 to %scan3A_82 step %scan3A_83  : i32 {
      %mul3A_137 = arith.constant 3200 : i32
      %mul3A_138 = arith.muli %scan3A_136, %mul3A_137 : i32
      %add3A_139 = arith.constant 0 : i32
      %add3A_140 = arith.addi %add3A_139, %mul3A_138 : i32
      "tpu.region"() ({
        %run_scoped3A = tpu.sem_alloc : memref<!tpu.dma_semaphore, #tpu.memory_space<semaphore_mem>>
        %dma_start3A = tpu.memref_slice %arg3[%mul3A_1, %add3A_140] : memref<4x409600xi32, #tpu.memory_space<hbm>> -> memref<1x3200xi32, #tpu.memory_space<hbm>>
        %dma_start3A_148 = tpu.memref_squeeze %dma_start3A : memref<1x3200xi32, #tpu.memory_space<hbm>> -> memref<3200xi32, #tpu.memory_space<hbm>>
        %dma_start3A_149 = tpu.memref_slice %arg3[%mul3A_1, %add3A_140] : memref<4x409600xi32, #tpu.memory_space<hbm>> -> memref<1x3200xi32, #tpu.memory_space<hbm>>
        %dma_start3A_150 = tpu.memref_squeeze %dma_start3A_149 : memref<1x3200xi32, #tpu.memory_space<hbm>> -> memref<3200xi32, #tpu.memory_space<hbm>>
        tpu.enqueue_dma source(%dma_start3A_150 : memref<3200xi32, #tpu.memory_space<hbm>>) target(%arg7 : memref<3200xi32, #tpu.memory_space<vmem>>) target_semaphore(%run_scoped3A : memref<!tpu.dma_semaphore, #tpu.memory_space<semaphore_mem>>)
        %dma_wait3A = tpu.memref_slice %arg3[%mul3A_1, %add3A_140] : memref<4x409600xi32, #tpu.memory_space<hbm>> -> memref<1x3200xi32, #tpu.memory_space<hbm>>
        %dma_wait3A_151 = tpu.memref_squeeze %dma_wait3A : memref<1x3200xi32, #tpu.memory_space<hbm>> -> memref<3200xi32, #tpu.memory_space<hbm>>
        %dma_wait3A_152 = tpu.memref_slice %arg3[%mul3A_1, %add3A_140] : memref<4x409600xi32, #tpu.memory_space<hbm>> -> memref<1x3200xi32, #tpu.memory_space<hbm>>
        %dma_wait3A_153 = tpu.memref_squeeze %dma_wait3A_152 : memref<1x3200xi32, #tpu.memory_space<hbm>> -> memref<3200xi32, #tpu.memory_space<hbm>>
        tpu.wait_dma2 semaphore(%run_scoped3A : memref<!tpu.dma_semaphore, #tpu.memory_space<semaphore_mem>>) src(%dma_wait3A_153 : memref<3200xi32, #tpu.memory_space<hbm>>) dst(%arg7 : memref<3200xi32, #tpu.memory_space<vmem>>)
        tpu.yield
      }) : () -> ()
      %add3A_141 = arith.constant 1 : i32
      %add3A_142 = arith.addi %mul3A_1, %add3A_141 : i32
      "tpu.region"() ({
        %run_scoped3A = tpu.sem_alloc : memref<!tpu.dma_semaphore, #tpu.memory_space<semaphore_mem>>
        %dma_start3A = tpu.memref_slice %arg3[%add3A_142, %add3A_140] : memref<4x409600xi32, #tpu.memory_space<hbm>> -> memref<1x3200xi32, #tpu.memory_space<hbm>>
        %dma_start3A_148 = tpu.memref_squeeze %dma_start3A : memref<1x3200xi32, #tpu.memory_space<hbm>> -> memref<3200xi32, #tpu.memory_space<hbm>>
        %dma_start3A_149 = tpu.memref_slice %arg3[%add3A_142, %add3A_140] : memref<4x409600xi32, #tpu.memory_space<hbm>> -> memref<1x3200xi32, #tpu.memory_space<hbm>>
        %dma_start3A_150 = tpu.memref_squeeze %dma_start3A_149 : memref<1x3200xi32, #tpu.memory_space<hbm>> -> memref<3200xi32, #tpu.memory_space<hbm>>
        tpu.enqueue_dma source(%dma_start3A_150 : memref<3200xi32, #tpu.memory_space<hbm>>) target(%arg8 : memref<3200xi32, #tpu.memory_space<vmem>>) target_semaphore(%run_scoped3A : memref<!tpu.dma_semaphore, #tpu.memory_space<semaphore_mem>>)
        %dma_wait3A = tpu.memref_slice %arg3[%add3A_142, %add3A_140] : memref<4x409600xi32, #tpu.memory_space<hbm>> -> memref<1x3200xi32, #tpu.memory_space<hbm>>
        %dma_wait3A_151 = tpu.memref_squeeze %dma_wait3A : memref<1x3200xi32, #tpu.memory_space<hbm>> -> memref<3200xi32, #tpu.memory_space<hbm>>
        %dma_wait3A_152 = tpu.memref_slice %arg3[%add3A_142, %add3A_140] : memref<4x409600xi32, #tpu.memory_space<hbm>> -> memref<1x3200xi32, #tpu.memory_space<hbm>>
        %dma_wait3A_153 = tpu.memref_squeeze %dma_wait3A_152 : memref<1x3200xi32, #tpu.memory_space<hbm>> -> memref<3200xi32, #tpu.memory_space<hbm>>
        tpu.wait_dma2 semaphore(%run_scoped3A : memref<!tpu.dma_semaphore, #tpu.memory_space<semaphore_mem>>) src(%dma_wait3A_153 : memref<3200xi32, #tpu.memory_space<hbm>>) dst(%arg8 : memref<3200xi32, #tpu.memory_space<vmem>>)
        tpu.yield
      }) : () -> ()
      %scan3A_143 = arith.constant 0 : i32
      %scan3A_144 = arith.constant 200 : i32
      %scan3A_145 = arith.addi %scan3A_143, %scan3A_144 : i32
      %scan3A_146 = arith.constant 1 : i32
      scf.for %scan3A_148 = %scan3A_143 to %scan3A_145 step %scan3A_146  : i32 {
        %mul3A_149 = arith.constant 16 : i32
        %mul3A_150 = arith.muli %scan3A_148, %mul3A_149 : i32
        %add3A_151 = arith.constant 0 : i32
        %add3A_152 = arith.addi %add3A_151, %mul3A_150 : i32
        %get3A = arith.index_cast %add3A_152 : i32 to index
        %get3A_153 = tpu.vector_load %arg7[%get3A] {strides = array<i32>} : memref<3200xi32, #tpu.memory_space<vmem>>, vector<16xi32>,
        %get3A_154 = arith.index_cast %add3A_152 : i32 to index
        %get3A_155 = tpu.vector_load %arg8[%get3A_154] {strides = array<i32>} : memref<3200xi32, #tpu.memory_space<vmem>>, vector<16xi32>,
        %gather3A = tpu.vector_load_idx %arg5[%get3A_153] : memref<50176xf32, #tpu.memory_space<vmem>>[vector<16xi32>], vector<16xf32>,
        tpu.vector_store_idx %arg6[%get3A_155], %gather3A {add = true} : memref<50176xf32, #tpu.memory_space<vmem>>[vector<16xi32>], vector<16xf32>,
      }
      %scan3A_147 = arith.constant 200 : i32
    }
    %scan3A_84 = arith.constant 128 : i32
    "tpu.region"() ({
      %run_scoped3A = tpu.sem_alloc : memref<!tpu.dma_semaphore, #tpu.memory_space<semaphore_mem>>
      %dma_start3A = arith.constant 0 : i32
      %dma_start3A_136 = tpu.memref_slice %arg4[%add3A_74, %dma_start3A] : memref<256x50176xf32, #tpu.memory_space<hbm>> -> memref<1x50176xf32, #tpu.memory_space<hbm>>
      %dma_start3A_137 = tpu.memref_squeeze %dma_start3A_136 : memref<1x50176xf32, #tpu.memory_space<hbm>> -> memref<50176xf32, #tpu.memory_space<hbm>>
      %dma_start3A_138 = arith.constant 0 : i32
      %dma_start3A_139 = tpu.memref_slice %arg4[%add3A_74, %dma_start3A_138] : memref<256x50176xf32, #tpu.memory_space<hbm>> -> memref<1x50176xf32, #tpu.memory_space<hbm>>
      %dma_start3A_140 = tpu.memref_squeeze %dma_start3A_139 : memref<1x50176xf32, #tpu.memory_space<hbm>> -> memref<50176xf32, #tpu.memory_space<hbm>>
      tpu.enqueue_dma source(%arg6 : memref<50176xf32, #tpu.memory_space<vmem>>) target(%dma_start3A_140 : memref<50176xf32, #tpu.memory_space<hbm>>) target_semaphore(%run_scoped3A : memref<!tpu.dma_semaphore, #tpu.memory_space<semaphore_mem>>)
      %dma_wait3A = arith.constant 0 : i32
      %dma_wait3A_141 = tpu.memref_slice %arg4[%add3A_74, %dma_wait3A] : memref<256x50176xf32, #tpu.memory_space<hbm>> -> memref<1x50176xf32, #tpu.memory_space<hbm>>
      %dma_wait3A_142 = tpu.memref_squeeze %dma_wait3A_141 : memref<1x50176xf32, #tpu.memory_space<hbm>> -> memref<50176xf32, #tpu.memory_space<hbm>>
      %dma_wait3A_143 = arith.constant 0 : i32
      %dma_wait3A_144 = tpu.memref_slice %arg4[%add3A_74, %dma_wait3A_143] : memref<256x50176xf32, #tpu.memory_space<hbm>> -> memref<1x50176xf32, #tpu.memory_space<hbm>>
      %dma_wait3A_145 = tpu.memref_squeeze %dma_wait3A_144 : memref<1x50176xf32, #tpu.memory_space<hbm>> -> memref<50176xf32, #tpu.memory_space<hbm>>
      tpu.wait_dma2 semaphore(%run_scoped3A : memref<!tpu.dma_semaphore, #tpu.memory_space<semaphore_mem>>) src(%arg6 : memref<50176xf32, #tpu.memory_space<vmem>>) dst(%dma_wait3A_145 : memref<50176xf32, #tpu.memory_space<hbm>>)
      tpu.yield
    }) : () -> ()
    %mul3A_85 = arith.constant 128 : i32
    %mul3A_86 = arith.muli %arg0, %mul3A_85 : i32
    %mul3A_87 = arith.constant 8 : i32
    %mul3A_88 = arith.muli %arg1, %mul3A_87 : i32
    %add3A_89 = arith.addi %mul3A_86, %mul3A_88 : i32
    %add3A_90 = arith.constant 5 : i32
    %add3A_91 = arith.addi %add3A_89, %add3A_90 : i32
    "tpu.region"() ({
      %run_scoped3A = tpu.sem_alloc : memref<!tpu.dma_semaphore, #tpu.memory_space<semaphore_mem>>
      %dma_start3A = arith.constant 0 : i32
      %dma_start3A_136 = tpu.memref_slice %arg2[%add3A_91, %dma_start3A] : memref<256x50176xf32, #tpu.memory_space<hbm>> -> memref<1x50176xf32, #tpu.memory_space<hbm>>
      %dma_start3A_137 = tpu.memref_squeeze %dma_start3A_136 : memref<1x50176xf32, #tpu.memory_space<hbm>> -> memref<50176xf32, #tpu.memory_space<hbm>>
      %dma_start3A_138 = arith.constant 0 : i32
      %dma_start3A_139 = tpu.memref_slice %arg2[%add3A_91, %dma_start3A_138] : memref<256x50176xf32, #tpu.memory_space<hbm>> -> memref<1x50176xf32, #tpu.memory_space<hbm>>
      %dma_start3A_140 = tpu.memref_squeeze %dma_start3A_139 : memref<1x50176xf32, #tpu.memory_space<hbm>> -> memref<50176xf32, #tpu.memory_space<hbm>>
      tpu.enqueue_dma source(%dma_start3A_140 : memref<50176xf32, #tpu.memory_space<hbm>>) target(%arg5 : memref<50176xf32, #tpu.memory_space<vmem>>) target_semaphore(%run_scoped3A : memref<!tpu.dma_semaphore, #tpu.memory_space<semaphore_mem>>)
      %dma_wait3A = arith.constant 0 : i32
      %dma_wait3A_141 = tpu.memref_slice %arg2[%add3A_91, %dma_wait3A] : memref<256x50176xf32, #tpu.memory_space<hbm>> -> memref<1x50176xf32, #tpu.memory_space<hbm>>
      %dma_wait3A_142 = tpu.memref_squeeze %dma_wait3A_141 : memref<1x50176xf32, #tpu.memory_space<hbm>> -> memref<50176xf32, #tpu.memory_space<hbm>>
      %dma_wait3A_143 = arith.constant 0 : i32
      %dma_wait3A_144 = tpu.memref_slice %arg2[%add3A_91, %dma_wait3A_143] : memref<256x50176xf32, #tpu.memory_space<hbm>> -> memref<1x50176xf32, #tpu.memory_space<hbm>>
      %dma_wait3A_145 = tpu.memref_squeeze %dma_wait3A_144 : memref<1x50176xf32, #tpu.memory_space<hbm>> -> memref<50176xf32, #tpu.memory_space<hbm>>
      tpu.wait_dma2 semaphore(%run_scoped3A : memref<!tpu.dma_semaphore, #tpu.memory_space<semaphore_mem>>) src(%dma_wait3A_145 : memref<50176xf32, #tpu.memory_space<hbm>>) dst(%arg5 : memref<50176xf32, #tpu.memory_space<vmem>>)
      tpu.yield
    }) : () -> ()
    %scan3A_92 = arith.constant 0 : i32
    %scan3A_93 = arith.constant 3136 : i32
    %scan3A_94 = arith.addi %scan3A_92, %scan3A_93 : i32
    %scan3A_95 = arith.constant 1 : i32
    scf.for %scan3A_136 = %scan3A_92 to %scan3A_94 step %scan3A_95  : i32 {
      %mul3A_137 = arith.constant 16 : i32
      %mul3A_138 = arith.muli %scan3A_136, %mul3A_137 : i32
      %add3A_139 = arith.constant 0 : i32
      %add3A_140 = arith.addi %add3A_139, %mul3A_138 : i32
      %swap3A = arith.index_cast %add3A_140 : i32 to index
      %swap3A_141 = tpu.vector_load %arg6[%swap3A] {strides = array<i32>} : memref<50176xf32, #tpu.memory_space<vmem>>, vector<16xf32>,
      tpu.vector_store %arg6[%swap3A], %broadcast_in_dim3A_0 {strides = array<i32>} : memref<50176xf32, #tpu.memory_space<vmem>>, vector<16xf32>,
    }
    %scan3A_96 = arith.constant 3136 : i32
    %scan3A_97 = arith.constant 0 : i32
    %scan3A_98 = arith.constant 128 : i32
    %scan3A_99 = arith.addi %scan3A_97, %scan3A_98 : i32
    %scan3A_100 = arith.constant 1 : i32
    scf.for %scan3A_136 = %scan3A_97 to %scan3A_99 step %scan3A_100  : i32 {
      %mul3A_137 = arith.constant 3200 : i32
      %mul3A_138 = arith.muli %scan3A_136, %mul3A_137 : i32
      %add3A_139 = arith.constant 0 : i32
      %add3A_140 = arith.addi %add3A_139, %mul3A_138 : i32
      "tpu.region"() ({
        %run_scoped3A = tpu.sem_alloc : memref<!tpu.dma_semaphore, #tpu.memory_space<semaphore_mem>>
        %dma_start3A = tpu.memref_slice %arg3[%mul3A_1, %add3A_140] : memref<4x409600xi32, #tpu.memory_space<hbm>> -> memref<1x3200xi32, #tpu.memory_space<hbm>>
        %dma_start3A_148 = tpu.memref_squeeze %dma_start3A : memref<1x3200xi32, #tpu.memory_space<hbm>> -> memref<3200xi32, #tpu.memory_space<hbm>>
        %dma_start3A_149 = tpu.memref_slice %arg3[%mul3A_1, %add3A_140] : memref<4x409600xi32, #tpu.memory_space<hbm>> -> memref<1x3200xi32, #tpu.memory_space<hbm>>
        %dma_start3A_150 = tpu.memref_squeeze %dma_start3A_149 : memref<1x3200xi32, #tpu.memory_space<hbm>> -> memref<3200xi32, #tpu.memory_space<hbm>>
        tpu.enqueue_dma source(%dma_start3A_150 : memref<3200xi32, #tpu.memory_space<hbm>>) target(%arg7 : memref<3200xi32, #tpu.memory_space<vmem>>) target_semaphore(%run_scoped3A : memref<!tpu.dma_semaphore, #tpu.memory_space<semaphore_mem>>)
        %dma_wait3A = tpu.memref_slice %arg3[%mul3A_1, %add3A_140] : memref<4x409600xi32, #tpu.memory_space<hbm>> -> memref<1x3200xi32, #tpu.memory_space<hbm>>
        %dma_wait3A_151 = tpu.memref_squeeze %dma_wait3A : memref<1x3200xi32, #tpu.memory_space<hbm>> -> memref<3200xi32, #tpu.memory_space<hbm>>
        %dma_wait3A_152 = tpu.memref_slice %arg3[%mul3A_1, %add3A_140] : memref<4x409600xi32, #tpu.memory_space<hbm>> -> memref<1x3200xi32, #tpu.memory_space<hbm>>
        %dma_wait3A_153 = tpu.memref_squeeze %dma_wait3A_152 : memref<1x3200xi32, #tpu.memory_space<hbm>> -> memref<3200xi32, #tpu.memory_space<hbm>>
        tpu.wait_dma2 semaphore(%run_scoped3A : memref<!tpu.dma_semaphore, #tpu.memory_space<semaphore_mem>>) src(%dma_wait3A_153 : memref<3200xi32, #tpu.memory_space<hbm>>) dst(%arg7 : memref<3200xi32, #tpu.memory_space<vmem>>)
        tpu.yield
      }) : () -> ()
      %add3A_141 = arith.constant 1 : i32
      %add3A_142 = arith.addi %mul3A_1, %add3A_141 : i32
      "tpu.region"() ({
        %run_scoped3A = tpu.sem_alloc : memref<!tpu.dma_semaphore, #tpu.memory_space<semaphore_mem>>
        %dma_start3A = tpu.memref_slice %arg3[%add3A_142, %add3A_140] : memref<4x409600xi32, #tpu.memory_space<hbm>> -> memref<1x3200xi32, #tpu.memory_space<hbm>>
        %dma_start3A_148 = tpu.memref_squeeze %dma_start3A : memref<1x3200xi32, #tpu.memory_space<hbm>> -> memref<3200xi32, #tpu.memory_space<hbm>>
        %dma_start3A_149 = tpu.memref_slice %arg3[%add3A_142, %add3A_140] : memref<4x409600xi32, #tpu.memory_space<hbm>> -> memref<1x3200xi32, #tpu.memory_space<hbm>>
        %dma_start3A_150 = tpu.memref_squeeze %dma_start3A_149 : memref<1x3200xi32, #tpu.memory_space<hbm>> -> memref<3200xi32, #tpu.memory_space<hbm>>
        tpu.enqueue_dma source(%dma_start3A_150 : memref<3200xi32, #tpu.memory_space<hbm>>) target(%arg8 : memref<3200xi32, #tpu.memory_space<vmem>>) target_semaphore(%run_scoped3A : memref<!tpu.dma_semaphore, #tpu.memory_space<semaphore_mem>>)
        %dma_wait3A = tpu.memref_slice %arg3[%add3A_142, %add3A_140] : memref<4x409600xi32, #tpu.memory_space<hbm>> -> memref<1x3200xi32, #tpu.memory_space<hbm>>
        %dma_wait3A_151 = tpu.memref_squeeze %dma_wait3A : memref<1x3200xi32, #tpu.memory_space<hbm>> -> memref<3200xi32, #tpu.memory_space<hbm>>
        %dma_wait3A_152 = tpu.memref_slice %arg3[%add3A_142, %add3A_140] : memref<4x409600xi32, #tpu.memory_space<hbm>> -> memref<1x3200xi32, #tpu.memory_space<hbm>>
        %dma_wait3A_153 = tpu.memref_squeeze %dma_wait3A_152 : memref<1x3200xi32, #tpu.memory_space<hbm>> -> memref<3200xi32, #tpu.memory_space<hbm>>
        tpu.wait_dma2 semaphore(%run_scoped3A : memref<!tpu.dma_semaphore, #tpu.memory_space<semaphore_mem>>) src(%dma_wait3A_153 : memref<3200xi32, #tpu.memory_space<hbm>>) dst(%arg8 : memref<3200xi32, #tpu.memory_space<vmem>>)
        tpu.yield
      }) : () -> ()
      %scan3A_143 = arith.constant 0 : i32
      %scan3A_144 = arith.constant 200 : i32
      %scan3A_145 = arith.addi %scan3A_143, %scan3A_144 : i32
      %scan3A_146 = arith.constant 1 : i32
      scf.for %scan3A_148 = %scan3A_143 to %scan3A_145 step %scan3A_146  : i32 {
        %mul3A_149 = arith.constant 16 : i32
        %mul3A_150 = arith.muli %scan3A_148, %mul3A_149 : i32
        %add3A_151 = arith.constant 0 : i32
        %add3A_152 = arith.addi %add3A_151, %mul3A_150 : i32
        %get3A = arith.index_cast %add3A_152 : i32 to index
        %get3A_153 = tpu.vector_load %arg7[%get3A] {strides = array<i32>} : memref<3200xi32, #tpu.memory_space<vmem>>, vector<16xi32>,
        %get3A_154 = arith.index_cast %add3A_152 : i32 to index
        %get3A_155 = tpu.vector_load %arg8[%get3A_154] {strides = array<i32>} : memref<3200xi32, #tpu.memory_space<vmem>>, vector<16xi32>,
        %gather3A = tpu.vector_load_idx %arg5[%get3A_153] : memref<50176xf32, #tpu.memory_space<vmem>>[vector<16xi32>], vector<16xf32>,
        tpu.vector_store_idx %arg6[%get3A_155], %gather3A {add = true} : memref<50176xf32, #tpu.memory_space<vmem>>[vector<16xi32>], vector<16xf32>,
      }
      %scan3A_147 = arith.constant 200 : i32
    }
    %scan3A_101 = arith.constant 128 : i32
    "tpu.region"() ({
      %run_scoped3A = tpu.sem_alloc : memref<!tpu.dma_semaphore, #tpu.memory_space<semaphore_mem>>
      %dma_start3A = arith.constant 0 : i32
      %dma_start3A_136 = tpu.memref_slice %arg4[%add3A_91, %dma_start3A] : memref<256x50176xf32, #tpu.memory_space<hbm>> -> memref<1x50176xf32, #tpu.memory_space<hbm>>
      %dma_start3A_137 = tpu.memref_squeeze %dma_start3A_136 : memref<1x50176xf32, #tpu.memory_space<hbm>> -> memref<50176xf32, #tpu.memory_space<hbm>>
      %dma_start3A_138 = arith.constant 0 : i32
      %dma_start3A_139 = tpu.memref_slice %arg4[%add3A_91, %dma_start3A_138] : memref<256x50176xf32, #tpu.memory_space<hbm>> -> memref<1x50176xf32, #tpu.memory_space<hbm>>
      %dma_start3A_140 = tpu.memref_squeeze %dma_start3A_139 : memref<1x50176xf32, #tpu.memory_space<hbm>> -> memref<50176xf32, #tpu.memory_space<hbm>>
      tpu.enqueue_dma source(%arg6 : memref<50176xf32, #tpu.memory_space<vmem>>) target(%dma_start3A_140 : memref<50176xf32, #tpu.memory_space<hbm>>) target_semaphore(%run_scoped3A : memref<!tpu.dma_semaphore, #tpu.memory_space<semaphore_mem>>)
      %dma_wait3A = arith.constant 0 : i32
      %dma_wait3A_141 = tpu.memref_slice %arg4[%add3A_91, %dma_wait3A] : memref<256x50176xf32, #tpu.memory_space<hbm>> -> memref<1x50176xf32, #tpu.memory_space<hbm>>
      %dma_wait3A_142 = tpu.memref_squeeze %dma_wait3A_141 : memref<1x50176xf32, #tpu.memory_space<hbm>> -> memref<50176xf32, #tpu.memory_space<hbm>>
      %dma_wait3A_143 = arith.constant 0 : i32
      %dma_wait3A_144 = tpu.memref_slice %arg4[%add3A_91, %dma_wait3A_143] : memref<256x50176xf32, #tpu.memory_space<hbm>> -> memref<1x50176xf32, #tpu.memory_space<hbm>>
      %dma_wait3A_145 = tpu.memref_squeeze %dma_wait3A_144 : memref<1x50176xf32, #tpu.memory_space<hbm>> -> memref<50176xf32, #tpu.memory_space<hbm>>
      tpu.wait_dma2 semaphore(%run_scoped3A : memref<!tpu.dma_semaphore, #tpu.memory_space<semaphore_mem>>) src(%arg6 : memref<50176xf32, #tpu.memory_space<vmem>>) dst(%dma_wait3A_145 : memref<50176xf32, #tpu.memory_space<hbm>>)
      tpu.yield
    }) : () -> ()
    %mul3A_102 = arith.constant 128 : i32
    %mul3A_103 = arith.muli %arg0, %mul3A_102 : i32
    %mul3A_104 = arith.constant 8 : i32
    %mul3A_105 = arith.muli %arg1, %mul3A_104 : i32
    %add3A_106 = arith.addi %mul3A_103, %mul3A_105 : i32
    %add3A_107 = arith.constant 6 : i32
    %add3A_108 = arith.addi %add3A_106, %add3A_107 : i32
    "tpu.region"() ({
      %run_scoped3A = tpu.sem_alloc : memref<!tpu.dma_semaphore, #tpu.memory_space<semaphore_mem>>
      %dma_start3A = arith.constant 0 : i32
      %dma_start3A_136 = tpu.memref_slice %arg2[%add3A_108, %dma_start3A] : memref<256x50176xf32, #tpu.memory_space<hbm>> -> memref<1x50176xf32, #tpu.memory_space<hbm>>
      %dma_start3A_137 = tpu.memref_squeeze %dma_start3A_136 : memref<1x50176xf32, #tpu.memory_space<hbm>> -> memref<50176xf32, #tpu.memory_space<hbm>>
      %dma_start3A_138 = arith.constant 0 : i32
      %dma_start3A_139 = tpu.memref_slice %arg2[%add3A_108, %dma_start3A_138] : memref<256x50176xf32, #tpu.memory_space<hbm>> -> memref<1x50176xf32, #tpu.memory_space<hbm>>
      %dma_start3A_140 = tpu.memref_squeeze %dma_start3A_139 : memref<1x50176xf32, #tpu.memory_space<hbm>> -> memref<50176xf32, #tpu.memory_space<hbm>>
      tpu.enqueue_dma source(%dma_start3A_140 : memref<50176xf32, #tpu.memory_space<hbm>>) target(%arg5 : memref<50176xf32, #tpu.memory_space<vmem>>) target_semaphore(%run_scoped3A : memref<!tpu.dma_semaphore, #tpu.memory_space<semaphore_mem>>)
      %dma_wait3A = arith.constant 0 : i32
      %dma_wait3A_141 = tpu.memref_slice %arg2[%add3A_108, %dma_wait3A] : memref<256x50176xf32, #tpu.memory_space<hbm>> -> memref<1x50176xf32, #tpu.memory_space<hbm>>
      %dma_wait3A_142 = tpu.memref_squeeze %dma_wait3A_141 : memref<1x50176xf32, #tpu.memory_space<hbm>> -> memref<50176xf32, #tpu.memory_space<hbm>>
      %dma_wait3A_143 = arith.constant 0 : i32
      %dma_wait3A_144 = tpu.memref_slice %arg2[%add3A_108, %dma_wait3A_143] : memref<256x50176xf32, #tpu.memory_space<hbm>> -> memref<1x50176xf32, #tpu.memory_space<hbm>>
      %dma_wait3A_145 = tpu.memref_squeeze %dma_wait3A_144 : memref<1x50176xf32, #tpu.memory_space<hbm>> -> memref<50176xf32, #tpu.memory_space<hbm>>
      tpu.wait_dma2 semaphore(%run_scoped3A : memref<!tpu.dma_semaphore, #tpu.memory_space<semaphore_mem>>) src(%dma_wait3A_145 : memref<50176xf32, #tpu.memory_space<hbm>>) dst(%arg5 : memref<50176xf32, #tpu.memory_space<vmem>>)
      tpu.yield
    }) : () -> ()
    %scan3A_109 = arith.constant 0 : i32
    %scan3A_110 = arith.constant 3136 : i32
    %scan3A_111 = arith.addi %scan3A_109, %scan3A_110 : i32
    %scan3A_112 = arith.constant 1 : i32
    scf.for %scan3A_136 = %scan3A_109 to %scan3A_111 step %scan3A_112  : i32 {
      %mul3A_137 = arith.constant 16 : i32
      %mul3A_138 = arith.muli %scan3A_136, %mul3A_137 : i32
      %add3A_139 = arith.constant 0 : i32
      %add3A_140 = arith.addi %add3A_139, %mul3A_138 : i32
      %swap3A = arith.index_cast %add3A_140 : i32 to index
      %swap3A_141 = tpu.vector_load %arg6[%swap3A] {strides = array<i32>} : memref<50176xf32, #tpu.memory_space<vmem>>, vector<16xf32>,
      tpu.vector_store %arg6[%swap3A], %broadcast_in_dim3A_0 {strides = array<i32>} : memref<50176xf32, #tpu.memory_space<vmem>>, vector<16xf32>,
    }
    %scan3A_113 = arith.constant 3136 : i32
    %scan3A_114 = arith.constant 0 : i32
    %scan3A_115 = arith.constant 128 : i32
    %scan3A_116 = arith.addi %scan3A_114, %scan3A_115 : i32
    %scan3A_117 = arith.constant 1 : i32
    scf.for %scan3A_136 = %scan3A_114 to %scan3A_116 step %scan3A_117  : i32 {
      %mul3A_137 = arith.constant 3200 : i32
      %mul3A_138 = arith.muli %scan3A_136, %mul3A_137 : i32
      %add3A_139 = arith.constant 0 : i32
      %add3A_140 = arith.addi %add3A_139, %mul3A_138 : i32
      "tpu.region"() ({
        %run_scoped3A = tpu.sem_alloc : memref<!tpu.dma_semaphore, #tpu.memory_space<semaphore_mem>>
        %dma_start3A = tpu.memref_slice %arg3[%mul3A_1, %add3A_140] : memref<4x409600xi32, #tpu.memory_space<hbm>> -> memref<1x3200xi32, #tpu.memory_space<hbm>>
        %dma_start3A_148 = tpu.memref_squeeze %dma_start3A : memref<1x3200xi32, #tpu.memory_space<hbm>> -> memref<3200xi32, #tpu.memory_space<hbm>>
        %dma_start3A_149 = tpu.memref_slice %arg3[%mul3A_1, %add3A_140] : memref<4x409600xi32, #tpu.memory_space<hbm>> -> memref<1x3200xi32, #tpu.memory_space<hbm>>
        %dma_start3A_150 = tpu.memref_squeeze %dma_start3A_149 : memref<1x3200xi32, #tpu.memory_space<hbm>> -> memref<3200xi32, #tpu.memory_space<hbm>>
        tpu.enqueue_dma source(%dma_start3A_150 : memref<3200xi32, #tpu.memory_space<hbm>>) target(%arg7 : memref<3200xi32, #tpu.memory_space<vmem>>) target_semaphore(%run_scoped3A : memref<!tpu.dma_semaphore, #tpu.memory_space<semaphore_mem>>)
        %dma_wait3A = tpu.memref_slice %arg3[%mul3A_1, %add3A_140] : memref<4x409600xi32, #tpu.memory_space<hbm>> -> memref<1x3200xi32, #tpu.memory_space<hbm>>
        %dma_wait3A_151 = tpu.memref_squeeze %dma_wait3A : memref<1x3200xi32, #tpu.memory_space<hbm>> -> memref<3200xi32, #tpu.memory_space<hbm>>
        %dma_wait3A_152 = tpu.memref_slice %arg3[%mul3A_1, %add3A_140] : memref<4x409600xi32, #tpu.memory_space<hbm>> -> memref<1x3200xi32, #tpu.memory_space<hbm>>
        %dma_wait3A_153 = tpu.memref_squeeze %dma_wait3A_152 : memref<1x3200xi32, #tpu.memory_space<hbm>> -> memref<3200xi32, #tpu.memory_space<hbm>>
        tpu.wait_dma2 semaphore(%run_scoped3A : memref<!tpu.dma_semaphore, #tpu.memory_space<semaphore_mem>>) src(%dma_wait3A_153 : memref<3200xi32, #tpu.memory_space<hbm>>) dst(%arg7 : memref<3200xi32, #tpu.memory_space<vmem>>)
        tpu.yield
      }) : () -> ()
      %add3A_141 = arith.constant 1 : i32
      %add3A_142 = arith.addi %mul3A_1, %add3A_141 : i32
      "tpu.region"() ({
        %run_scoped3A = tpu.sem_alloc : memref<!tpu.dma_semaphore, #tpu.memory_space<semaphore_mem>>
        %dma_start3A = tpu.memref_slice %arg3[%add3A_142, %add3A_140] : memref<4x409600xi32, #tpu.memory_space<hbm>> -> memref<1x3200xi32, #tpu.memory_space<hbm>>
        %dma_start3A_148 = tpu.memref_squeeze %dma_start3A : memref<1x3200xi32, #tpu.memory_space<hbm>> -> memref<3200xi32, #tpu.memory_space<hbm>>
        %dma_start3A_149 = tpu.memref_slice %arg3[%add3A_142, %add3A_140] : memref<4x409600xi32, #tpu.memory_space<hbm>> -> memref<1x3200xi32, #tpu.memory_space<hbm>>
        %dma_start3A_150 = tpu.memref_squeeze %dma_start3A_149 : memref<1x3200xi32, #tpu.memory_space<hbm>> -> memref<3200xi32, #tpu.memory_space<hbm>>
        tpu.enqueue_dma source(%dma_start3A_150 : memref<3200xi32, #tpu.memory_space<hbm>>) target(%arg8 : memref<3200xi32, #tpu.memory_space<vmem>>) target_semaphore(%run_scoped3A : memref<!tpu.dma_semaphore, #tpu.memory_space<semaphore_mem>>)
        %dma_wait3A = tpu.memref_slice %arg3[%add3A_142, %add3A_140] : memref<4x409600xi32, #tpu.memory_space<hbm>> -> memref<1x3200xi32, #tpu.memory_space<hbm>>
        %dma_wait3A_151 = tpu.memref_squeeze %dma_wait3A : memref<1x3200xi32, #tpu.memory_space<hbm>> -> memref<3200xi32, #tpu.memory_space<hbm>>
        %dma_wait3A_152 = tpu.memref_slice %arg3[%add3A_142, %add3A_140] : memref<4x409600xi32, #tpu.memory_space<hbm>> -> memref<1x3200xi32, #tpu.memory_space<hbm>>
        %dma_wait3A_153 = tpu.memref_squeeze %dma_wait3A_152 : memref<1x3200xi32, #tpu.memory_space<hbm>> -> memref<3200xi32, #tpu.memory_space<hbm>>
        tpu.wait_dma2 semaphore(%run_scoped3A : memref<!tpu.dma_semaphore, #tpu.memory_space<semaphore_mem>>) src(%dma_wait3A_153 : memref<3200xi32, #tpu.memory_space<hbm>>) dst(%arg8 : memref<3200xi32, #tpu.memory_space<vmem>>)
        tpu.yield
      }) : () -> ()
      %scan3A_143 = arith.constant 0 : i32
      %scan3A_144 = arith.constant 200 : i32
      %scan3A_145 = arith.addi %scan3A_143, %scan3A_144 : i32
      %scan3A_146 = arith.constant 1 : i32
      scf.for %scan3A_148 = %scan3A_143 to %scan3A_145 step %scan3A_146  : i32 {
        %mul3A_149 = arith.constant 16 : i32
        %mul3A_150 = arith.muli %scan3A_148, %mul3A_149 : i32
        %add3A_151 = arith.constant 0 : i32
        %add3A_152 = arith.addi %add3A_151, %mul3A_150 : i32
        %get3A = arith.index_cast %add3A_152 : i32 to index
        %get3A_153 = tpu.vector_load %arg7[%get3A] {strides = array<i32>} : memref<3200xi32, #tpu.memory_space<vmem>>, vector<16xi32>,
        %get3A_154 = arith.index_cast %add3A_152 : i32 to index
        %get3A_155 = tpu.vector_load %arg8[%get3A_154] {strides = array<i32>} : memref<3200xi32, #tpu.memory_space<vmem>>, vector<16xi32>,
        %gather3A = tpu.vector_load_idx %arg5[%get3A_153] : memref<50176xf32, #tpu.memory_space<vmem>>[vector<16xi32>], vector<16xf32>,
        tpu.vector_store_idx %arg6[%get3A_155], %gather3A {add = true} : memref<50176xf32, #tpu.memory_space<vmem>>[vector<16xi32>], vector<16xf32>,
      }
      %scan3A_147 = arith.constant 200 : i32
    }
    %scan3A_118 = arith.constant 128 : i32
    "tpu.region"() ({
      %run_scoped3A = tpu.sem_alloc : memref<!tpu.dma_semaphore, #tpu.memory_space<semaphore_mem>>
      %dma_start3A = arith.constant 0 : i32
      %dma_start3A_136 = tpu.memref_slice %arg4[%add3A_108, %dma_start3A] : memref<256x50176xf32, #tpu.memory_space<hbm>> -> memref<1x50176xf32, #tpu.memory_space<hbm>>
      %dma_start3A_137 = tpu.memref_squeeze %dma_start3A_136 : memref<1x50176xf32, #tpu.memory_space<hbm>> -> memref<50176xf32, #tpu.memory_space<hbm>>
      %dma_start3A_138 = arith.constant 0 : i32
      %dma_start3A_139 = tpu.memref_slice %arg4[%add3A_108, %dma_start3A_138] : memref<256x50176xf32, #tpu.memory_space<hbm>> -> memref<1x50176xf32, #tpu.memory_space<hbm>>
      %dma_start3A_140 = tpu.memref_squeeze %dma_start3A_139 : memref<1x50176xf32, #tpu.memory_space<hbm>> -> memref<50176xf32, #tpu.memory_space<hbm>>
      tpu.enqueue_dma source(%arg6 : memref<50176xf32, #tpu.memory_space<vmem>>) target(%dma_start3A_140 : memref<50176xf32, #tpu.memory_space<hbm>>) target_semaphore(%run_scoped3A : memref<!tpu.dma_semaphore, #tpu.memory_space<semaphore_mem>>)
      %dma_wait3A = arith.constant 0 : i32
      %dma_wait3A_141 = tpu.memref_slice %arg4[%add3A_108, %dma_wait3A] : memref<256x50176xf32, #tpu.memory_space<hbm>> -> memref<1x50176xf32, #tpu.memory_space<hbm>>
      %dma_wait3A_142 = tpu.memref_squeeze %dma_wait3A_141 : memref<1x50176xf32, #tpu.memory_space<hbm>> -> memref<50176xf32, #tpu.memory_space<hbm>>
      %dma_wait3A_143 = arith.constant 0 : i32
      %dma_wait3A_144 = tpu.memref_slice %arg4[%add3A_108, %dma_wait3A_143] : memref<256x50176xf32, #tpu.memory_space<hbm>> -> memref<1x50176xf32, #tpu.memory_space<hbm>>
      %dma_wait3A_145 = tpu.memref_squeeze %dma_wait3A_144 : memref<1x50176xf32, #tpu.memory_space<hbm>> -> memref<50176xf32, #tpu.memory_space<hbm>>
      tpu.wait_dma2 semaphore(%run_scoped3A : memref<!tpu.dma_semaphore, #tpu.memory_space<semaphore_mem>>) src(%arg6 : memref<50176xf32, #tpu.memory_space<vmem>>) dst(%dma_wait3A_145 : memref<50176xf32, #tpu.memory_space<hbm>>)
      tpu.yield
    }) : () -> ()
    %mul3A_119 = arith.constant 128 : i32
    %mul3A_120 = arith.muli %arg0, %mul3A_119 : i32
    %mul3A_121 = arith.constant 8 : i32
    %mul3A_122 = arith.muli %arg1, %mul3A_121 : i32
    %add3A_123 = arith.addi %mul3A_120, %mul3A_122 : i32
    %add3A_124 = arith.constant 7 : i32
    %add3A_125 = arith.addi %add3A_123, %add3A_124 : i32
    "tpu.region"() ({
      %run_scoped3A = tpu.sem_alloc : memref<!tpu.dma_semaphore, #tpu.memory_space<semaphore_mem>>
      %dma_start3A = arith.constant 0 : i32
      %dma_start3A_136 = tpu.memref_slice %arg2[%add3A_125, %dma_start3A] : memref<256x50176xf32, #tpu.memory_space<hbm>> -> memref<1x50176xf32, #tpu.memory_space<hbm>>
      %dma_start3A_137 = tpu.memref_squeeze %dma_start3A_136 : memref<1x50176xf32, #tpu.memory_space<hbm>> -> memref<50176xf32, #tpu.memory_space<hbm>>
      %dma_start3A_138 = arith.constant 0 : i32
      %dma_start3A_139 = tpu.memref_slice %arg2[%add3A_125, %dma_start3A_138] : memref<256x50176xf32, #tpu.memory_space<hbm>> -> memref<1x50176xf32, #tpu.memory_space<hbm>>
      %dma_start3A_140 = tpu.memref_squeeze %dma_start3A_139 : memref<1x50176xf32, #tpu.memory_space<hbm>> -> memref<50176xf32, #tpu.memory_space<hbm>>
      tpu.enqueue_dma source(%dma_start3A_140 : memref<50176xf32, #tpu.memory_space<hbm>>) target(%arg5 : memref<50176xf32, #tpu.memory_space<vmem>>) target_semaphore(%run_scoped3A : memref<!tpu.dma_semaphore, #tpu.memory_space<semaphore_mem>>)
      %dma_wait3A = arith.constant 0 : i32
      %dma_wait3A_141 = tpu.memref_slice %arg2[%add3A_125, %dma_wait3A] : memref<256x50176xf32, #tpu.memory_space<hbm>> -> memref<1x50176xf32, #tpu.memory_space<hbm>>
      %dma_wait3A_142 = tpu.memref_squeeze %dma_wait3A_141 : memref<1x50176xf32, #tpu.memory_space<hbm>> -> memref<50176xf32, #tpu.memory_space<hbm>>
      %dma_wait3A_143 = arith.constant 0 : i32
      %dma_wait3A_144 = tpu.memref_slice %arg2[%add3A_125, %dma_wait3A_143] : memref<256x50176xf32, #tpu.memory_space<hbm>> -> memref<1x50176xf32, #tpu.memory_space<hbm>>
      %dma_wait3A_145 = tpu.memref_squeeze %dma_wait3A_144 : memref<1x50176xf32, #tpu.memory_space<hbm>> -> memref<50176xf32, #tpu.memory_space<hbm>>
      tpu.wait_dma2 semaphore(%run_scoped3A : memref<!tpu.dma_semaphore, #tpu.memory_space<semaphore_mem>>) src(%dma_wait3A_145 : memref<50176xf32, #tpu.memory_space<hbm>>) dst(%arg5 : memref<50176xf32, #tpu.memory_space<vmem>>)
      tpu.yield
    }) : () -> ()
    %scan3A_126 = arith.constant 0 : i32
    %scan3A_127 = arith.constant 3136 : i32
    %scan3A_128 = arith.addi %scan3A_126, %scan3A_127 : i32
    %scan3A_129 = arith.constant 1 : i32
    scf.for %scan3A_136 = %scan3A_126 to %scan3A_128 step %scan3A_129  : i32 {
      %mul3A_137 = arith.constant 16 : i32
      %mul3A_138 = arith.muli %scan3A_136, %mul3A_137 : i32
      %add3A_139 = arith.constant 0 : i32
      %add3A_140 = arith.addi %add3A_139, %mul3A_138 : i32
      %swap3A = arith.index_cast %add3A_140 : i32 to index
      %swap3A_141 = tpu.vector_load %arg6[%swap3A] {strides = array<i32>} : memref<50176xf32, #tpu.memory_space<vmem>>, vector<16xf32>,
      tpu.vector_store %arg6[%swap3A], %broadcast_in_dim3A_0 {strides = array<i32>} : memref<50176xf32, #tpu.memory_space<vmem>>, vector<16xf32>,
    }
    %scan3A_130 = arith.constant 3136 : i32
    %scan3A_131 = arith.constant 0 : i32
    %scan3A_132 = arith.constant 128 : i32
    %scan3A_133 = arith.addi %scan3A_131, %scan3A_132 : i32
    %scan3A_134 = arith.constant 1 : i32
    scf.for %scan3A_136 = %scan3A_131 to %scan3A_133 step %scan3A_134  : i32 {
      %mul3A_137 = arith.constant 3200 : i32
      %mul3A_138 = arith.muli %scan3A_136, %mul3A_137 : i32
      %add3A_139 = arith.constant 0 : i32
      %add3A_140 = arith.addi %add3A_139, %mul3A_138 : i32
      "tpu.region"() ({
        %run_scoped3A = tpu.sem_alloc : memref<!tpu.dma_semaphore, #tpu.memory_space<semaphore_mem>>
        %dma_start3A = tpu.memref_slice %arg3[%mul3A_1, %add3A_140] : memref<4x409600xi32, #tpu.memory_space<hbm>> -> memref<1x3200xi32, #tpu.memory_space<hbm>>
        %dma_start3A_148 = tpu.memref_squeeze %dma_start3A : memref<1x3200xi32, #tpu.memory_space<hbm>> -> memref<3200xi32, #tpu.memory_space<hbm>>
        %dma_start3A_149 = tpu.memref_slice %arg3[%mul3A_1, %add3A_140] : memref<4x409600xi32, #tpu.memory_space<hbm>> -> memref<1x3200xi32, #tpu.memory_space<hbm>>
        %dma_start3A_150 = tpu.memref_squeeze %dma_start3A_149 : memref<1x3200xi32, #tpu.memory_space<hbm>> -> memref<3200xi32, #tpu.memory_space<hbm>>
        tpu.enqueue_dma source(%dma_start3A_150 : memref<3200xi32, #tpu.memory_space<hbm>>) target(%arg7 : memref<3200xi32, #tpu.memory_space<vmem>>) target_semaphore(%run_scoped3A : memref<!tpu.dma_semaphore, #tpu.memory_space<semaphore_mem>>)
        %dma_wait3A = tpu.memref_slice %arg3[%mul3A_1, %add3A_140] : memref<4x409600xi32, #tpu.memory_space<hbm>> -> memref<1x3200xi32, #tpu.memory_space<hbm>>
        %dma_wait3A_151 = tpu.memref_squeeze %dma_wait3A : memref<1x3200xi32, #tpu.memory_space<hbm>> -> memref<3200xi32, #tpu.memory_space<hbm>>
        %dma_wait3A_152 = tpu.memref_slice %arg3[%mul3A_1, %add3A_140] : memref<4x409600xi32, #tpu.memory_space<hbm>> -> memref<1x3200xi32, #tpu.memory_space<hbm>>
        %dma_wait3A_153 = tpu.memref_squeeze %dma_wait3A_152 : memref<1x3200xi32, #tpu.memory_space<hbm>> -> memref<3200xi32, #tpu.memory_space<hbm>>
        tpu.wait_dma2 semaphore(%run_scoped3A : memref<!tpu.dma_semaphore, #tpu.memory_space<semaphore_mem>>) src(%dma_wait3A_153 : memref<3200xi32, #tpu.memory_space<hbm>>) dst(%arg7 : memref<3200xi32, #tpu.memory_space<vmem>>)
        tpu.yield
      }) : () -> ()
      %add3A_141 = arith.constant 1 : i32
      %add3A_142 = arith.addi %mul3A_1, %add3A_141 : i32
      "tpu.region"() ({
        %run_scoped3A = tpu.sem_alloc : memref<!tpu.dma_semaphore, #tpu.memory_space<semaphore_mem>>
        %dma_start3A = tpu.memref_slice %arg3[%add3A_142, %add3A_140] : memref<4x409600xi32, #tpu.memory_space<hbm>> -> memref<1x3200xi32, #tpu.memory_space<hbm>>
        %dma_start3A_148 = tpu.memref_squeeze %dma_start3A : memref<1x3200xi32, #tpu.memory_space<hbm>> -> memref<3200xi32, #tpu.memory_space<hbm>>
        %dma_start3A_149 = tpu.memref_slice %arg3[%add3A_142, %add3A_140] : memref<4x409600xi32, #tpu.memory_space<hbm>> -> memref<1x3200xi32, #tpu.memory_space<hbm>>
        %dma_start3A_150 = tpu.memref_squeeze %dma_start3A_149 : memref<1x3200xi32, #tpu.memory_space<hbm>> -> memref<3200xi32, #tpu.memory_space<hbm>>
        tpu.enqueue_dma source(%dma_start3A_150 : memref<3200xi32, #tpu.memory_space<hbm>>) target(%arg8 : memref<3200xi32, #tpu.memory_space<vmem>>) target_semaphore(%run_scoped3A : memref<!tpu.dma_semaphore, #tpu.memory_space<semaphore_mem>>)
        %dma_wait3A = tpu.memref_slice %arg3[%add3A_142, %add3A_140] : memref<4x409600xi32, #tpu.memory_space<hbm>> -> memref<1x3200xi32, #tpu.memory_space<hbm>>
        %dma_wait3A_151 = tpu.memref_squeeze %dma_wait3A : memref<1x3200xi32, #tpu.memory_space<hbm>> -> memref<3200xi32, #tpu.memory_space<hbm>>
        %dma_wait3A_152 = tpu.memref_slice %arg3[%add3A_142, %add3A_140] : memref<4x409600xi32, #tpu.memory_space<hbm>> -> memref<1x3200xi32, #tpu.memory_space<hbm>>
        %dma_wait3A_153 = tpu.memref_squeeze %dma_wait3A_152 : memref<1x3200xi32, #tpu.memory_space<hbm>> -> memref<3200xi32, #tpu.memory_space<hbm>>
        tpu.wait_dma2 semaphore(%run_scoped3A : memref<!tpu.dma_semaphore, #tpu.memory_space<semaphore_mem>>) src(%dma_wait3A_153 : memref<3200xi32, #tpu.memory_space<hbm>>) dst(%arg8 : memref<3200xi32, #tpu.memory_space<vmem>>)
        tpu.yield
      }) : () -> ()
      %scan3A_143 = arith.constant 0 : i32
      %scan3A_144 = arith.constant 200 : i32
      %scan3A_145 = arith.addi %scan3A_143, %scan3A_144 : i32
      %scan3A_146 = arith.constant 1 : i32
      scf.for %scan3A_148 = %scan3A_143 to %scan3A_145 step %scan3A_146  : i32 {
        %mul3A_149 = arith.constant 16 : i32
        %mul3A_150 = arith.muli %scan3A_148, %mul3A_149 : i32
        %add3A_151 = arith.constant 0 : i32
        %add3A_152 = arith.addi %add3A_151, %mul3A_150 : i32
        %get3A = arith.index_cast %add3A_152 : i32 to index
        %get3A_153 = tpu.vector_load %arg7[%get3A] {strides = array<i32>} : memref<3200xi32, #tpu.memory_space<vmem>>, vector<16xi32>,
        %get3A_154 = arith.index_cast %add3A_152 : i32 to index
        %get3A_155 = tpu.vector_load %arg8[%get3A_154] {strides = array<i32>} : memref<3200xi32, #tpu.memory_space<vmem>>, vector<16xi32>,
        %gather3A = tpu.vector_load_idx %arg5[%get3A_153] : memref<50176xf32, #tpu.memory_space<vmem>>[vector<16xi32>], vector<16xf32>,
        tpu.vector_store_idx %arg6[%get3A_155], %gather3A {add = true} : memref<50176xf32, #tpu.memory_space<vmem>>[vector<16xi32>], vector<16xf32>,
      }
      %scan3A_147 = arith.constant 200 : i32
    }
    %scan3A_135 = arith.constant 128 : i32
    "tpu.region"() ({
      %run_scoped3A = tpu.sem_alloc : memref<!tpu.dma_semaphore, #tpu.memory_space<semaphore_mem>>
      %dma_start3A = arith.constant 0 : i32
      %dma_start3A_136 = tpu.memref_slice %arg4[%add3A_125, %dma_start3A] : memref<256x50176xf32, #tpu.memory_space<hbm>> -> memref<1x50176xf32, #tpu.memory_space<hbm>>
      %dma_start3A_137 = tpu.memref_squeeze %dma_start3A_136 : memref<1x50176xf32, #tpu.memory_space<hbm>> -> memref<50176xf32, #tpu.memory_space<hbm>>
      %dma_start3A_138 = arith.constant 0 : i32
      %dma_start3A_139 = tpu.memref_slice %arg4[%add3A_125, %dma_start3A_138] : memref<256x50176xf32, #tpu.memory_space<hbm>> -> memref<1x50176xf32, #tpu.memory_space<hbm>>
      %dma_start3A_140 = tpu.memref_squeeze %dma_start3A_139 : memref<1x50176xf32, #tpu.memory_space<hbm>> -> memref<50176xf32, #tpu.memory_space<hbm>>
      tpu.enqueue_dma source(%arg6 : memref<50176xf32, #tpu.memory_space<vmem>>) target(%dma_start3A_140 : memref<50176xf32, #tpu.memory_space<hbm>>) target_semaphore(%run_scoped3A : memref<!tpu.dma_semaphore, #tpu.memory_space<semaphore_mem>>)
      %dma_wait3A = arith.constant 0 : i32
      %dma_wait3A_141 = tpu.memref_slice %arg4[%add3A_125, %dma_wait3A] : memref<256x50176xf32, #tpu.memory_space<hbm>> -> memref<1x50176xf32, #tpu.memory_space<hbm>>
      %dma_wait3A_142 = tpu.memref_squeeze %dma_wait3A_141 : memref<1x50176xf32, #tpu.memory_space<hbm>> -> memref<50176xf32, #tpu.memory_space<hbm>>
      %dma_wait3A_143 = arith.constant 0 : i32
      %dma_wait3A_144 = tpu.memref_slice %arg4[%add3A_125, %dma_wait3A_143] : memref<256x50176xf32, #tpu.memory_space<hbm>> -> memref<1x50176xf32, #tpu.memory_space<hbm>>
      %dma_wait3A_145 = tpu.memref_squeeze %dma_wait3A_144 : memref<1x50176xf32, #tpu.memory_space<hbm>> -> memref<50176xf32, #tpu.memory_space<hbm>>
      tpu.wait_dma2 semaphore(%run_scoped3A : memref<!tpu.dma_semaphore, #tpu.memory_space<semaphore_mem>>) src(%arg6 : memref<50176xf32, #tpu.memory_space<vmem>>) dst(%dma_wait3A_145 : memref<50176xf32, #tpu.memory_space<hbm>>)
      tpu.yield
    }) : () -> ()
    return
  }
}

#map = affine_map<(d0, d1) -> (0, 0)>
module attributes {stable_mosaic.version = 14 : i64} {
  func.func @hist_kernel(%arg0: i32, %arg1: i32, %arg2: memref<4x409600xi32, #tpu.memory_space<hbm>>, %arg3: memref<32x50176xf32, #tpu.memory_space<hbm>>, %arg4: memref<50176xf32, #tpu.memory_space<vmem>>, %arg5: memref<3200xi32, #tpu.memory_space<vmem>>) attributes {dimension_semantics = [#tpu.dimension_semantics<core_parallel>, #tpu.dimension_semantics<subcore_parallel>], iteration_bounds = array<i64: 2, 16>, scalar_prefetch = 0 : i64, scratch_operands = 2 : i64, tpu.core_type = #tpu.core_type<sc_vector_subcore>, window_params = [{transform_indices = #map}, {transform_indices = #map}]} {
    %broadcast_in_dim3A = arith.constant 0.000000e+00 : f32
    %broadcast_in_dim3A_0 = vector.broadcast %broadcast_in_dim3A : f32 to vector<16xf32>
    %broadcast_in_dim3A_1 = arith.constant 1.000000e+00 : f32
    %broadcast_in_dim3A_2 = vector.broadcast %broadcast_in_dim3A_1 : f32 to vector<16xf32>
    %scan3A = arith.constant 0 : i32
    %scan3A_3 = arith.constant 3136 : i32
    %scan3A_4 = arith.addi %scan3A, %scan3A_3 : i32
    %scan3A_5 = arith.constant 1 : i32
    scf.for %scan3A_19 = %scan3A to %scan3A_4 step %scan3A_5  : i32 {
      %mul3A_20 = arith.constant 16 : i32
      %mul3A_21 = arith.muli %scan3A_19, %mul3A_20 : i32
      %add3A_22 = arith.constant 0 : i32
      %add3A_23 = arith.addi %add3A_22, %mul3A_21 : i32
      %swap3A = arith.index_cast %add3A_23 : i32 to index
      %swap3A_24 = tpu.vector_load %arg4[%swap3A] {strides = array<i32>} : memref<50176xf32, #tpu.memory_space<vmem>>, vector<16xf32>,
      tpu.vector_store %arg4[%swap3A], %broadcast_in_dim3A_0 {strides = array<i32>} : memref<50176xf32, #tpu.memory_space<vmem>>, vector<16xf32>,
    }
    %scan3A_6 = arith.constant 3136 : i32
    %mul3A = arith.constant 25600 : i32
    %mul3A_7 = arith.muli %arg1, %mul3A : i32
    %mul3A_8 = arith.constant 2 : i32
    %mul3A_9 = arith.muli %mul3A_8, %arg0 : i32
    %add3A = arith.constant 1 : i32
    %add3A_10 = arith.addi %mul3A_9, %add3A : i32
    %scan3A_11 = arith.constant 0 : i32
    %scan3A_12 = arith.constant 8 : i32
    %scan3A_13 = arith.addi %scan3A_11, %scan3A_12 : i32
    %scan3A_14 = arith.constant 1 : i32
    scf.for %scan3A_19 = %scan3A_11 to %scan3A_13 step %scan3A_14  : i32 {
      %mul3A_20 = arith.constant 3200 : i32
      %mul3A_21 = arith.muli %scan3A_19, %mul3A_20 : i32
      %add3A_22 = arith.constant 0 : i32
      %add3A_23 = arith.addi %add3A_22, %mul3A_21 : i32
      %add3A_24 = arith.addi %mul3A_7, %add3A_23 : i32
      "tpu.region"() ({
        %run_scoped3A = tpu.sem_alloc : memref<!tpu.dma_semaphore, #tpu.memory_space<semaphore_mem>>
        %dma_start3A = tpu.memref_slice %arg2[%add3A_10, %add3A_24] : memref<4x409600xi32, #tpu.memory_space<hbm>> -> memref<1x3200xi32, #tpu.memory_space<hbm>>
        %dma_start3A_30 = tpu.memref_squeeze %dma_start3A : memref<1x3200xi32, #tpu.memory_space<hbm>> -> memref<3200xi32, #tpu.memory_space<hbm>>
        %dma_start3A_31 = tpu.memref_slice %arg2[%add3A_10, %add3A_24] : memref<4x409600xi32, #tpu.memory_space<hbm>> -> memref<1x3200xi32, #tpu.memory_space<hbm>>
        %dma_start3A_32 = tpu.memref_squeeze %dma_start3A_31 : memref<1x3200xi32, #tpu.memory_space<hbm>> -> memref<3200xi32, #tpu.memory_space<hbm>>
        tpu.enqueue_dma source(%dma_start3A_32 : memref<3200xi32, #tpu.memory_space<hbm>>) target(%arg5 : memref<3200xi32, #tpu.memory_space<vmem>>) target_semaphore(%run_scoped3A : memref<!tpu.dma_semaphore, #tpu.memory_space<semaphore_mem>>)
        %dma_wait3A = tpu.memref_slice %arg2[%add3A_10, %add3A_24] : memref<4x409600xi32, #tpu.memory_space<hbm>> -> memref<1x3200xi32, #tpu.memory_space<hbm>>
        %dma_wait3A_33 = tpu.memref_squeeze %dma_wait3A : memref<1x3200xi32, #tpu.memory_space<hbm>> -> memref<3200xi32, #tpu.memory_space<hbm>>
        %dma_wait3A_34 = tpu.memref_slice %arg2[%add3A_10, %add3A_24] : memref<4x409600xi32, #tpu.memory_space<hbm>> -> memref<1x3200xi32, #tpu.memory_space<hbm>>
        %dma_wait3A_35 = tpu.memref_squeeze %dma_wait3A_34 : memref<1x3200xi32, #tpu.memory_space<hbm>> -> memref<3200xi32, #tpu.memory_space<hbm>>
        tpu.wait_dma2 semaphore(%run_scoped3A : memref<!tpu.dma_semaphore, #tpu.memory_space<semaphore_mem>>) src(%dma_wait3A_35 : memref<3200xi32, #tpu.memory_space<hbm>>) dst(%arg5 : memref<3200xi32, #tpu.memory_space<vmem>>)
        tpu.yield
      }) : () -> ()
      %scan3A_25 = arith.constant 0 : i32
      %scan3A_26 = arith.constant 200 : i32
      %scan3A_27 = arith.addi %scan3A_25, %scan3A_26 : i32
      %scan3A_28 = arith.constant 1 : i32
      scf.for %scan3A_30 = %scan3A_25 to %scan3A_27 step %scan3A_28  : i32 {
        %mul3A_31 = arith.constant 16 : i32
        %mul3A_32 = arith.muli %scan3A_30, %mul3A_31 : i32
        %add3A_33 = arith.constant 0 : i32
        %add3A_34 = arith.addi %add3A_33, %mul3A_32 : i32
        %get3A = arith.index_cast %add3A_34 : i32 to index
        %get3A_35 = tpu.vector_load %arg5[%get3A] {strides = array<i32>} : memref<3200xi32, #tpu.memory_space<vmem>>, vector<16xi32>,
        tpu.vector_store_idx %arg4[%get3A_35], %broadcast_in_dim3A_2 {add = true} : memref<50176xf32, #tpu.memory_space<vmem>>[vector<16xi32>], vector<16xf32>,
      }
      %scan3A_29 = arith.constant 200 : i32
    }
    %scan3A_15 = arith.constant 8 : i32
    %mul3A_16 = arith.constant 16 : i32
    %mul3A_17 = arith.muli %arg0, %mul3A_16 : i32
    %add3A_18 = arith.addi %mul3A_17, %arg1 : i32
    "tpu.region"() ({
      %run_scoped3A = tpu.sem_alloc : memref<!tpu.dma_semaphore, #tpu.memory_space<semaphore_mem>>
      %dma_start3A = arith.constant 0 : i32
      %dma_start3A_19 = tpu.memref_slice %arg3[%add3A_18, %dma_start3A] : memref<32x50176xf32, #tpu.memory_space<hbm>> -> memref<1x50176xf32, #tpu.memory_space<hbm>>
      %dma_start3A_20 = tpu.memref_squeeze %dma_start3A_19 : memref<1x50176xf32, #tpu.memory_space<hbm>> -> memref<50176xf32, #tpu.memory_space<hbm>>
      %dma_start3A_21 = arith.constant 0 : i32
      %dma_start3A_22 = tpu.memref_slice %arg3[%add3A_18, %dma_start3A_21] : memref<32x50176xf32, #tpu.memory_space<hbm>> -> memref<1x50176xf32, #tpu.memory_space<hbm>>
      %dma_start3A_23 = tpu.memref_squeeze %dma_start3A_22 : memref<1x50176xf32, #tpu.memory_space<hbm>> -> memref<50176xf32, #tpu.memory_space<hbm>>
      tpu.enqueue_dma source(%arg4 : memref<50176xf32, #tpu.memory_space<vmem>>) target(%dma_start3A_23 : memref<50176xf32, #tpu.memory_space<hbm>>) target_semaphore(%run_scoped3A : memref<!tpu.dma_semaphore, #tpu.memory_space<semaphore_mem>>)
      %dma_wait3A = arith.constant 0 : i32
      %dma_wait3A_24 = tpu.memref_slice %arg3[%add3A_18, %dma_wait3A] : memref<32x50176xf32, #tpu.memory_space<hbm>> -> memref<1x50176xf32, #tpu.memory_space<hbm>>
      %dma_wait3A_25 = tpu.memref_squeeze %dma_wait3A_24 : memref<1x50176xf32, #tpu.memory_space<hbm>> -> memref<50176xf32, #tpu.memory_space<hbm>>
      %dma_wait3A_26 = arith.constant 0 : i32
      %dma_wait3A_27 = tpu.memref_slice %arg3[%add3A_18, %dma_wait3A_26] : memref<32x50176xf32, #tpu.memory_space<hbm>> -> memref<1x50176xf32, #tpu.memory_space<hbm>>
      %dma_wait3A_28 = tpu.memref_squeeze %dma_wait3A_27 : memref<1x50176xf32, #tpu.memory_space<hbm>> -> memref<50176xf32, #tpu.memory_space<hbm>>
      tpu.wait_dma2 semaphore(%run_scoped3A : memref<!tpu.dma_semaphore, #tpu.memory_space<semaphore_mem>>) src(%arg4 : memref<50176xf32, #tpu.memory_space<vmem>>) dst(%dma_wait3A_28 : memref<50176xf32, #tpu.memory_space<hbm>>)
      tpu.yield
    }) : () -> ()
    return
  }
}

module attributes {stable_mosaic.version = 14 : i64} {
  func.func @_matmul_body(%arg0: i32, %arg1: memref<3584x128xf32, #tpu.memory_space<vmem>>, %arg2: memref<2x128x128xf32, #tpu.memory_space<vmem>>, %arg3: memref<256x3584xf32, #tpu.memory_space<vmem>>) attributes {dimension_semantics = [#tpu.dimension_semantics<arbitrary>], iteration_bounds = array<i64: 14>, scalar_prefetch = 0 : i64, scratch_operands = 0 : i64, tpu.core_type = #tpu.core_type<tc>, window_params = [{transform_indices = @transform_0, window_bounds = array<i64: 3584, 128>}, {pipeline_mode = #tpu.pipeline_mode<synchronous>, transform_indices = @transform_1, window_bounds = array<i64: 2, 128, 128>}, {transform_indices = @transform_2, window_bounds = array<i64: 256, 3584>}]} {
    %get3A = arith.constant 0 : index
    %get3A_0 = arith.constant 0 : index
    %get3A_1 = vector.load %arg1[%get3A, %get3A_0] : memref<3584x128xf32, #tpu.memory_space<vmem>>, vector<3584x128xf32>
    %transpose3A = tpu.transpose %get3A_1, [1, 0] : vector<3584x128xf32> -> vector<128x3584xf32>
    %get3A_2 = arith.constant 0 : index
    %get3A_3 = arith.constant 0 : index
    %get3A_4 = arith.constant 0 : index
    %get3A_5 = vector.load %arg2[%get3A_2, %get3A_3, %get3A_4] : memref<2x128x128xf32, #tpu.memory_space<vmem>>, vector<1x128x128xf32>
    %get3A_6 = vector.shape_cast %get3A_5 : vector<1x128x128xf32> to vector<128x128xf32>
    %dot_general3A = arith.constant dense<0.000000e+00> : vector<128x3584xf32>
    %dot_general3A_7 = tpu.matmul %get3A_6, %transpose3A, %dot_general3A {dimension_numbers = #tpu.dot_dimension_numbers<[1], [0], [0], [1], [0, 0, 1, 1], [], []>, transpose_lhs_hint = false} : vector<128x128xf32>, vector<128x3584xf32>, vector<128x3584xf32> -> vector<128x3584xf32>
    %swap3A = arith.constant 0 : index
    %swap3A_8 = arith.constant 0 : index
    %swap3A_9 = vector.load %arg3[%swap3A, %swap3A_8] : memref<256x3584xf32, #tpu.memory_space<vmem>>, vector<128x3584xf32>
    tpu.vector_store %arg3[%swap3A, %swap3A_8], %dot_general3A_7 {strides = array<i32>} : memref<256x3584xf32, #tpu.memory_space<vmem>>, vector<128x3584xf32>,
    %get3A_10 = arith.constant 1 : index
    %get3A_11 = arith.constant 0 : index
    %get3A_12 = arith.constant 0 : index
    %get3A_13 = vector.load %arg2[%get3A_10, %get3A_11, %get3A_12] : memref<2x128x128xf32, #tpu.memory_space<vmem>>, vector<1x128x128xf32>
    %get3A_14 = vector.shape_cast %get3A_13 : vector<1x128x128xf32> to vector<128x128xf32>
    %dot_general3A_15 = arith.constant dense<0.000000e+00> : vector<128x3584xf32>
    %dot_general3A_16 = tpu.matmul %get3A_14, %transpose3A, %dot_general3A_15 {dimension_numbers = #tpu.dot_dimension_numbers<[1], [0], [0], [1], [0, 0, 1, 1], [], []>, transpose_lhs_hint = false} : vector<128x128xf32>, vector<128x3584xf32>, vector<128x3584xf32> -> vector<128x3584xf32>
    %swap3A_17 = arith.constant 128 : index
    %swap3A_18 = arith.constant 0 : index
    %swap3A_19 = vector.load %arg3[%swap3A_17, %swap3A_18] : memref<256x3584xf32, #tpu.memory_space<vmem>>, vector<128x3584xf32>
    tpu.vector_store %arg3[%swap3A_17, %swap3A_18], %dot_general3A_16 {strides = array<i32>} : memref<256x3584xf32, #tpu.memory_space<vmem>>, vector<128x3584xf32>,
    return
  }
  func.func @transform_0(%arg0: i32) -> (i32, i32) {
    %c0_i32 = arith.constant 0 : i32
    %c0_i32_0 = arith.constant 0 : i32
    return %arg0, %c0_i32 : i32, i32
  }
  func.func @transform_1(%arg0: i32) -> (i32, i32, i32) {
    %c0_i32 = arith.constant 0 : i32
    %c0_i32_0 = arith.constant 0 : i32
    %c0_i32_1 = arith.constant 0 : i32
    %c0_i32_2 = arith.constant 0 : i32
    return %c0_i32, %c0_i32_0, %c0_i32_1 : i32, i32, i32
  }
  func.func @transform_2(%arg0: i32) -> (i32, i32) {
    %c0_i32 = arith.constant 0 : i32
    %c0_i32_0 = arith.constant 0 : i32
    return %c0_i32, %arg0 : i32, i32
  }
}

module attributes {stable_mosaic.version = 14 : i64} {
  func.func @_scale_body(%arg0: i32, %arg1: memref<32x3584xf32, #tpu.memory_space<vmem>>, %arg2: memref<256x3584xf32, #tpu.memory_space<vmem>>, %arg3: memref<256x3584xf32, #tpu.memory_space<vmem>>, %arg4: memref<2x3584xf32, #tpu.memory_space<vmem>>) attributes {dimension_semantics = [#tpu.dimension_semantics<arbitrary>], iteration_bounds = array<i64: 14>, scalar_prefetch = 0 : i64, scratch_operands = 0 : i64, tpu.core_type = #tpu.core_type<tc>, window_params = [{transform_indices = @transform_0, window_bounds = array<i64: 32, 3584>}, {transform_indices = @transform_1, window_bounds = array<i64: 256, 3584>}, {transform_indices = @transform_2, window_bounds = array<i64: 256, 3584>}, {transform_indices = @transform_3, window_bounds = array<i64: 2, 3584>}]} {
    %get3A = arith.constant 0 : index
    %get3A_0 = arith.constant 0 : index
    %get3A_1 = vector.load %arg1[%get3A, %get3A_0] : memref<32x3584xf32, #tpu.memory_space<vmem>>, vector<16x3584xf32>
    %reduce_sum3A = arith.constant dense<0.000000e+00> : vector<3584xf32>
    %reduce_sum3A_2 = vector.multi_reduction <add>, %get3A_1, %reduce_sum3A [0] : vector<16x3584xf32> to vector<3584xf32>
    %broadcast_in_dim3A = vector.shape_cast %reduce_sum3A_2 : vector<3584xf32> to vector<1x3584xf32>
    %add3A = arith.constant 1.000000e+00 : f32
    %add3A_3 = vector.broadcast %add3A : f32 to vector<1x3584xf32>
    %add3A_4 = arith.addf %broadcast_in_dim3A, %add3A_3 : vector<1x3584xf32>
    %get3A_5 = arith.constant 16 : index
    %get3A_6 = arith.constant 0 : index
    %get3A_7 = vector.load %arg1[%get3A_5, %get3A_6] : memref<32x3584xf32, #tpu.memory_space<vmem>>, vector<16x3584xf32>
    %reduce_sum3A_8 = arith.constant dense<0.000000e+00> : vector<3584xf32>
    %reduce_sum3A_9 = vector.multi_reduction <add>, %get3A_7, %reduce_sum3A_8 [0] : vector<16x3584xf32> to vector<3584xf32>
    %broadcast_in_dim3A_10 = vector.shape_cast %reduce_sum3A_9 : vector<3584xf32> to vector<1x3584xf32>
    %add3A_11 = arith.constant 1.000000e+00 : f32
    %add3A_12 = vector.broadcast %add3A_11 : f32 to vector<1x3584xf32>
    %add3A_13 = arith.addf %broadcast_in_dim3A_10, %add3A_12 : vector<1x3584xf32>
    %rsqrt3A = math.rsqrt %add3A_4 : vector<1x3584xf32>
    %rsqrt3A_14 = math.rsqrt %add3A_13 : vector<1x3584xf32>
    %swap3A = arith.constant 0 : index
    %swap3A_15 = arith.constant 0 : index
    %swap3A_16 = vector.load %arg4[%swap3A, %swap3A_15] : memref<2x3584xf32, #tpu.memory_space<vmem>>, vector<1x3584xf32>
    tpu.vector_store %arg4[%swap3A, %swap3A_15], %rsqrt3A {strides = array<i32>} : memref<2x3584xf32, #tpu.memory_space<vmem>>, vector<1x3584xf32>,
    %swap3A_17 = arith.constant 1 : index
    %swap3A_18 = arith.constant 0 : index
    %swap3A_19 = vector.load %arg4[%swap3A_17, %swap3A_18] : memref<2x3584xf32, #tpu.memory_space<vmem>>, vector<1x3584xf32>
    tpu.vector_store %arg4[%swap3A_17, %swap3A_18], %rsqrt3A_14 {strides = array<i32>} : memref<2x3584xf32, #tpu.memory_space<vmem>>, vector<1x3584xf32>,
    %get3A_20 = arith.constant 0 : index
    %get3A_21 = arith.constant 0 : index
    %get3A_22 = vector.load %arg2[%get3A_20, %get3A_21] : memref<256x3584xf32, #tpu.memory_space<vmem>>, vector<128x3584xf32>
    %mul3A = vector.broadcast %rsqrt3A : vector<1x3584xf32> to vector<128x3584xf32>
    %mul3A_23 = arith.mulf %get3A_22, %mul3A : vector<128x3584xf32>
    %swap3A_24 = arith.constant 0 : index
    %swap3A_25 = arith.constant 0 : index
    %swap3A_26 = vector.load %arg3[%swap3A_24, %swap3A_25] : memref<256x3584xf32, #tpu.memory_space<vmem>>, vector<128x3584xf32>
    tpu.vector_store %arg3[%swap3A_24, %swap3A_25], %mul3A_23 {strides = array<i32>} : memref<256x3584xf32, #tpu.memory_space<vmem>>, vector<128x3584xf32>,
    %get3A_27 = arith.constant 128 : index
    %get3A_28 = arith.constant 0 : index
    %get3A_29 = vector.load %arg2[%get3A_27, %get3A_28] : memref<256x3584xf32, #tpu.memory_space<vmem>>, vector<128x3584xf32>
    %mul3A_30 = vector.broadcast %rsqrt3A_14 : vector<1x3584xf32> to vector<128x3584xf32>
    %mul3A_31 = arith.mulf %get3A_29, %mul3A_30 : vector<128x3584xf32>
    %swap3A_32 = arith.constant 128 : index
    %swap3A_33 = arith.constant 0 : index
    %swap3A_34 = vector.load %arg3[%swap3A_32, %swap3A_33] : memref<256x3584xf32, #tpu.memory_space<vmem>>, vector<128x3584xf32>
    tpu.vector_store %arg3[%swap3A_32, %swap3A_33], %mul3A_31 {strides = array<i32>} : memref<256x3584xf32, #tpu.memory_space<vmem>>, vector<128x3584xf32>,
    return
  }
  func.func @transform_0(%arg0: i32) -> (i32, i32) {
    %c0_i32 = arith.constant 0 : i32
    %c0_i32_0 = arith.constant 0 : i32
    return %c0_i32, %arg0 : i32, i32
  }
  func.func @transform_1(%arg0: i32) -> (i32, i32) {
    %c0_i32 = arith.constant 0 : i32
    %c0_i32_0 = arith.constant 0 : i32
    return %c0_i32, %arg0 : i32, i32
  }
  func.func @transform_2(%arg0: i32) -> (i32, i32) {
    %c0_i32 = arith.constant 0 : i32
    %c0_i32_0 = arith.constant 0 : i32
    return %c0_i32, %arg0 : i32, i32
  }
  func.func @transform_3(%arg0: i32) -> (i32, i32) {
    %c0_i32 = arith.constant 0 : i32
    %c0_i32_0 = arith.constant 0 : i32
    return %c0_i32, %arg0 : i32, i32
  }
}

module attributes {stable_mosaic.version = 14 : i64} {
  func.func @_final_body(%arg0: i32, %arg1: memref<256x3584xf32, #tpu.memory_space<vmem>>, %arg2: memref<256x3584xf32, #tpu.memory_space<vmem>>, %arg3: memref<2x3584xf32, #tpu.memory_space<vmem>>, %arg4: memref<2x128xf32, #tpu.memory_space<vmem>>, %arg5: memref<3584x128xf32, #tpu.memory_space<vmem>>) attributes {dimension_semantics = [#tpu.dimension_semantics<arbitrary>], iteration_bounds = array<i64: 14>, scalar_prefetch = 0 : i64, scratch_operands = 0 : i64, tpu.core_type = #tpu.core_type<tc>, window_params = [{transform_indices = @transform_0, window_bounds = array<i64: 256, 3584>}, {transform_indices = @transform_1, window_bounds = array<i64: 256, 3584>}, {transform_indices = @transform_2, window_bounds = array<i64: 2, 3584>}, {pipeline_mode = #tpu.pipeline_mode<synchronous>, transform_indices = @transform_3, window_bounds = array<i64: 2, 128>}, {transform_indices = @transform_4, window_bounds = array<i64: 3584, 128>}]} {
    %get3A = arith.constant 0 : index
    %get3A_0 = arith.constant 0 : index
    %get3A_1 = vector.load %arg1[%get3A, %get3A_0] : memref<256x3584xf32, #tpu.memory_space<vmem>>, vector<128x3584xf32>
    %get3A_2 = arith.constant 0 : index
    %get3A_3 = arith.constant 0 : index
    %get3A_4 = vector.load %arg2[%get3A_2, %get3A_3] : memref<256x3584xf32, #tpu.memory_space<vmem>>, vector<128x3584xf32>
    %add3A = arith.addf %get3A_1, %get3A_4 : vector<128x3584xf32>
    %get3A_5 = arith.constant 0 : index
    %get3A_6 = arith.constant 0 : index
    %get3A_7 = vector.load %arg3[%get3A_5, %get3A_6] : memref<2x3584xf32, #tpu.memory_space<vmem>>, vector<1x3584xf32>
    %mul3A = vector.broadcast %get3A_7 : vector<1x3584xf32> to vector<128x3584xf32>
    %mul3A_8 = arith.mulf %add3A, %mul3A : vector<128x3584xf32>
    %get3A_9 = arith.constant 128 : index
    %get3A_10 = arith.constant 0 : index
    %get3A_11 = vector.load %arg1[%get3A_9, %get3A_10] : memref<256x3584xf32, #tpu.memory_space<vmem>>, vector<128x3584xf32>
    %get3A_12 = arith.constant 128 : index
    %get3A_13 = arith.constant 0 : index
    %get3A_14 = vector.load %arg2[%get3A_12, %get3A_13] : memref<256x3584xf32, #tpu.memory_space<vmem>>, vector<128x3584xf32>
    %add3A_15 = arith.addf %get3A_11, %get3A_14 : vector<128x3584xf32>
    %get3A_16 = arith.constant 1 : index
    %get3A_17 = arith.constant 0 : index
    %get3A_18 = vector.load %arg3[%get3A_16, %get3A_17] : memref<2x3584xf32, #tpu.memory_space<vmem>>, vector<1x3584xf32>
    %mul3A_19 = vector.broadcast %get3A_18 : vector<1x3584xf32> to vector<128x3584xf32>
    %mul3A_20 = arith.mulf %add3A_15, %mul3A_19 : vector<128x3584xf32>
    %get3A_21 = arith.constant 0 : index
    %get3A_22 = arith.constant 0 : index
    %get3A_23 = vector.load %arg4[%get3A_21, %get3A_22] : memref<2x128xf32, #tpu.memory_space<vmem>>, vector<1x128xf32>
    %get3A_24 = vector.shape_cast %get3A_23 : vector<1x128xf32> to vector<128xf32>
    %get3A_25 = arith.constant 1 : index
    %get3A_26 = arith.constant 0 : index
    %get3A_27 = vector.load %arg4[%get3A_25, %get3A_26] : memref<2x128xf32, #tpu.memory_space<vmem>>, vector<1x128xf32>
    %get3A_28 = vector.shape_cast %get3A_27 : vector<1x128xf32> to vector<128xf32>
    %add3A_29 = arith.addf %get3A_24, %get3A_28 : vector<128xf32>
    %broadcast_in_dim3A = vector.shape_cast %add3A_29 : vector<128xf32> to vector<1x128xf32>
    %add3A_30 = arith.addf %mul3A_8, %mul3A_20 : vector<128x3584xf32>
    %transpose3A = tpu.transpose %add3A_30, [1, 0] : vector<128x3584xf32> -> vector<3584x128xf32>
    %add3A_31 = vector.broadcast %broadcast_in_dim3A : vector<1x128xf32> to vector<3584x128xf32>
    %add3A_32 = arith.addf %transpose3A, %add3A_31 : vector<3584x128xf32>
    %swap3A = arith.constant 0 : index
    %swap3A_33 = arith.constant 0 : index
    %swap3A_34 = vector.load %arg5[%swap3A, %swap3A_33] : memref<3584x128xf32, #tpu.memory_space<vmem>>, vector<3584x128xf32>
    tpu.vector_store %arg5[%swap3A, %swap3A_33], %add3A_32 {strides = array<i32>} : memref<3584x128xf32, #tpu.memory_space<vmem>>, vector<3584x128xf32>,
    return
  }
  func.func @transform_0(%arg0: i32) -> (i32, i32) {
    %c0_i32 = arith.constant 0 : i32
    %c0_i32_0 = arith.constant 0 : i32
    return %c0_i32, %arg0 : i32, i32
  }
  func.func @transform_1(%arg0: i32) -> (i32, i32) {
    %c0_i32 = arith.constant 0 : i32
    %c0_i32_0 = arith.constant 0 : i32
    return %c0_i32, %arg0 : i32, i32
  }
  func.func @transform_2(%arg0: i32) -> (i32, i32) {
    %c0_i32 = arith.constant 0 : i32
    %c0_i32_0 = arith.constant 0 : i32
    return %c0_i32, %arg0 : i32, i32
  }
  func.func @transform_3(%arg0: i32) -> (i32, i32) {
    %c0_i32 = arith.constant 0 : i32
    %c0_i32_0 = arith.constant 0 : i32
    %c0_i32_1 = arith.constant 0 : i32
    return %c0_i32, %c0_i32_0 : i32, i32
  }
  func.func @transform_4(%arg0: i32) -> (i32, i32) {
    %c0_i32 = arith.constant 0 : i32
    %c0_i32_0 = arith.constant 0 : i32
    return %arg0, %c0_i32 : i32, i32
  }
}

</mosaic_0001>

<sc_bundles>
// kernel: kernel.10.cloned.1.call-start
scs
__scs_entry_jumppad:
0x0: {  	(pc) =	sbr.rel $0x88, $3  }
0x1: {  	(tag) =	ssettag $0x0;
	lr =	simm.s32 $0x1  }
0x2: {  	[smem:$0x3F9A] =	sst lr;
	_ =	strace $0xD0000000  }
0x3: {  	_ = 	snop  }
0x4: {  	_ = 	snop  }
0x5: {  	_ = 	snop  }
0x6: {  	_ = 	snop  }
0x7: {  	_ = 	snop  }
__scs_overlays_trampoline_lowered:
0x8: {  	[smem:$0x3FA9] =	sst s0  }
0x9: {  	[smem:$0x3FAA] =	sst s1  }
0xa: {  	[smem:$0x3FAB] =	sst s2  }
0xb: {  	[smem:$0x3FAC] =	sst s3  }
0xc: {  	[smem:$0x3FAD] =	sst s4  }
0xd: {  	[smem:$0x3FAE] =	sst s5  }
0xe: {  	[smem:$0x3FAF] =	sst s6  }
0xf: {  	[smem:$0x3FB0] =	sst s7  }
0x10: {  	[smem:$0x3FB1] =	sst s8  }
0x11: {  	[smem:$0x3FB2] =	sst s9;
	s0 =	simm.s32 @!p0 $0x0  }
0x12: {  	s1 =	sld [smem:$0x3F98];
	s0 =	simm.s32 @p0 $0x1  }
0x13: {  	[smem:$0x3FB3] =	sst s0;
	s0 =	simm.s32 @!p1 $0x0  }
0x14: {  	s2 =	sld [smem:$0x3F97];
	s0 =	simm.s32 @p1 $0x1  }
0x15: {  	[smem:$0x3FB4] =	sst s0;
	s0 =	simm.s32 @!p2 $0x0  }
0x16: {  	s3 =	sld [smem:$0x3FDB];
	s0 =	simm.s32 @p2 $0x1  }
0x17: {  	s4 =	simm.s32 $0x1BF5;
	[smem:$0x3FB6] =	sst s0  }
0x18: {  	s0 =	sld [smem:$0x3F99];
	_ =	swait.ge [sflag:s4], $0x0  }
0x19: {  	s7 =	sld [smem:$0x3F9A]  }
0x1a: {  	s8 =	sadd.s32 $0xFFFFE003, lr  }
0x1b: {  	s9 =	sadd.s32 $0xFFFFFEF7, lr;
	s5 =	simm.s32 $0xFFFFFFFF;
	p2 =	slt.u32 s8, $0xFFFFF086  }
0x1c: {  	p1 =	slt.u32 s9, $0xF7A;
	s5 =	simm.s32 @!p2 $0x0  }
0x1d: {  	s5 =	simm.s32 @p1 $0x1;
	p0 =	seq.s32 s7, s2  }
0x1e: {  	s7 =	smul.u32 @!p0 $0xF7A, s2;
	p2 =	seq.s32 @!p0 s5, $0x0  }
0x1f: {  	s9 =	smul.u32 $0xF7A, s1;
	s8 =	simm.s32 @!p0 $0x1BF5;
	p2 =	por !p2, p0  }
0x20: {  	[sflag:s8] =	ssyncset.s32 @!p0 $0xFFFFF086;
	s6 =	sadd.s32 @!p0 s3, s7;
	s7 =	simm.s32 @!p0 $0x108  }
0x21: {  	s3 =	sadd.s32 s3, s9;
	s6 =	sadd.s32 @!p0 $0x88, s6;
	s7 =	simm.s32 @p2 $0x1082  }
0x22: {  	[simem:s7], [sflag:s8] =	dma.local @!p0 [hbm:s6], $0xF7A  }
0x23: {  	s9 =	sor.u32 $0xD0000000, s2;
	s6 =	simm.s32 $0x108;
	_ =	swait.ge @!p0 [sflag:s8], $0x0  }
0x24: {  	s3 =	sadd.s32 $0x88, s3;
	s6 =	simm.s32 @!p1 $0x1082;
	[sflag:s4] =	ssyncset.s32 $0xFFFFF086  }
0x25: {  	[simem:s6], [sflag:s4] =	dma.local [hbm:s3], $0xF7A  }
0x26: {  	[smem:$0x3F9A] =	sst s1;
	(tag) =	ssettag s2;
	_ =	strace s9  }
0x27: {  	s1 =	sld [smem:$0x3FAA]  }
0x28: {  	s2 =	sld [smem:$0x3FAB]  }
0x29: {  	s4 =	sld [smem:$0x3FAD]  }
0x2a: {  	p0 =	seq.s32 s5, $0x0;
	s5 =	sld [smem:$0x3FAE]  }
0x2b: {  	s6 =	sld [smem:$0x3FAF]  }
0x2c: {  	s7 =	sld [smem:$0x3FB0]  }
0x2d: {  	s3 =	simm.s32 $0x108;
	s8 =	sld [smem:$0x3FB1]  }
0x2e: {  	s3 =	simm.s32 @!p0 $0x1082;
	s9 =	sld [smem:$0x3FB2]  }
0x2f: {  	lr =	sadd.s32 s0, s3;
	s0 =	sld [smem:$0x3FA9]  }
0x30: {  	s3 =	sld [smem:$0x3FAC]  }
0x31: {  	[smem:$0x3FB5] =	sst s10  }
0x32: {  	s10 =	sld [smem:$0x3FB3];
	_ =	sdelay $0x3  }
0x33: {  	p0 =	seq.s32 s10, $0x1;
	s10 =	sld [smem:$0x3FB5];
	_ =	sdelay $0x3  }
0x34: {  	[smem:$0x3FB5] =	sst s10  }
0x35: {  	s10 =	sld [smem:$0x3FB4];
	_ =	sdelay $0x3  }
0x36: {  	p1 =	seq.s32 s10, $0x1;
	s10 =	sld [smem:$0x3FB5];
	_ =	sdelay $0x3  }
0x37: {  	[smem:$0x3FB5] =	sst s10  }
0x38: {  	s10 =	sld [smem:$0x3FB6]  }
0x39: {  	_ = 	snop;
	(pc) =	sbr.ind lr, $3  }
0x3a: {  	_ = 	snop  }
0x3b: {  	_ = 	snop  }
0x3c: {  	p2 =	seq.s32 s10, $0x1;
	s10 =	sld [smem:$0x3FB5]  }
0x3d: {  	_ =	shalt  }
0x3e: {  	_ =	shalt  }
0x3f: {  	_ =	shalt  }
0x40: {  	_ =	shalt  }
0x41: {  	_ =	shalt  }
0x42: {  	_ =	shalt  }
0x43: {  	_ =	shalt  }
0x44: {  	_ =	shalt  }
0x45: {  	_ =	shalt  }
0x46: {  	_ =	shalt  }
0x47: {  	_ =	shalt  }
0x48: {  	_ =	shalt  }
0x49: {  	_ =	shalt  }
0x4a: {  	_ =	shalt  }
0x4b: {  	_ =	shalt  }
0x4c: {  	_ =	shalt  }
0x4d: {  	_ =	shalt  }
0x4e: {  	_ =	shalt  }
0x4f: {  	_ =	shalt  }
0x50: {  	_ =	shalt  }
0x51: {  	_ =	shalt  }
0x52: {  	_ =	shalt  }
0x53: {  	_ =	shalt  }
0x54: {  	_ =	shalt  }
0x55: {  	_ =	shalt  }
0x56: {  	_ =	shalt  }
0x57: {  	_ =	shalt  }
0x58: {  	_ =	shalt  }
0x59: {  	_ =	shalt  }
0x5a: {  	_ =	shalt  }
0x5b: {  	_ =	shalt  }
0x5c: {  	_ =	shalt  }
0x5d: {  	_ =	shalt  }
0x5e: {  	_ =	shalt  }
0x5f: {  	_ =	shalt  }
0x60: {  	_ =	shalt  }
0x61: {  	_ =	shalt  }
0x62: {  	_ =	shalt  }
0x63: {  	_ =	shalt  }
0x64: {  	_ =	shalt  }
0x65: {  	_ =	shalt  }
0x66: {  	_ =	shalt  }
0x67: {  	_ =	shalt  }
0x68: {  	_ =	shalt  }
0x69: {  	_ =	shalt  }
0x6a: {  	_ =	shalt  }
0x6b: {  	_ =	shalt  }
0x6c: {  	_ =	shalt  }
0x6d: {  	_ =	shalt  }
0x6e: {  	_ =	shalt  }
0x6f: {  	_ =	shalt  }
0x70: {  	_ =	shalt  }
0x71: {  	_ =	shalt  }
0x72: {  	_ =	shalt  }
0x73: {  	_ =	shalt  }
0x74: {  	_ =	shalt  }
0x75: {  	_ =	shalt  }
0x76: {  	_ =	shalt  }
0x77: {  	_ =	shalt  }
0x78: {  	_ =	shalt  }
0x79: {  	_ =	shalt  }
0x7a: {  	_ =	shalt  }
0x7b: {  	_ =	shalt  }
0x7c: {  	_ =	shalt  }
0x7d: {  	_ =	shalt  }
0x7e: {  	_ =	shalt  }
0x7f: {  	_ =	shalt  }
0x80: {  	_ =	shalt  }
0x81: {  	_ =	shalt  }
0x82: {  	_ =	shalt  }
0x83: {  	_ =	shalt  }
0x84: {  	_ =	shalt  }
0x85: {  	_ =	shalt  }
0x86: {  	_ =	shalt  }
0x87: {  	_ =	shalt  }
.Lfunc_end0:
.L_simem_size_0:
called_computation.1_lowered:
.L_overlay_start_0:
0x88: {  	s2 =	sld [smem:$0x3FD9]  }
0x89: {  	s3 =	sld [smem:$0x3FFE];
	_ =	sdelay $0x1  }
0x8a: {  	s1 =	srdreg.scid  }
0x8b: {  	s0 =	sand.u32 $0x1, s1  }
0x8c: {  	s17 =	sshll.u32 s0, $0xA;
	s2 =	sadd.s32 s3, s2  }
0x8d: {  	s2 =	sadd.s32 s2, s17  }
0x8e: {  	[smem:$0x3FC1] =	sst s2  }
0x8f: {  	_ = 	snop  }
0x90: {  	s2 =	sld [smem:$0x3FD0];
	(tm) =	ssettm $0x1  }
0x91: {  	s18 =	sld [smem:$0x3FFB];
	_ =	sdelay $0x3  }
0x92: {  	_ =	strace s18  }
0x93: {  	s3 =	sld [smem:$0x3FFC];
	_ =	sdelay $0x3  }
0x94: {  	_ =	strace s3  }
0x95: {  	s3 =	sld [smem:$0x3FFD];
	_ =	sdelay $0x3  }
0x96: {  	_ =	strace s3  }
0x97: {  	_ =	strace $0x8FFFFFFF  }
0x98: {  	s19 =	sld [smem:$0x3FDB];
	_ =	sdelay $0x1  }
0x99: {  	s4 =	simm.s32 $_scs_section_size  }
0x9a: {  	s5 =	simm.s32 $_size__tile_overlayer_lowered;
	s6 =	simm.s32 $_tile_overlayer_lowered  }
0x9b: {  	s22 =	simm.s32 $0x1BFF;
	s21 =	sshll.u32 s6, $0x1;
	s3 =	sadd.s32 s4, s19  }
0x9c: {  	s7 =	simm.s32 $0x0;
	s20 =	sshll.u32 s5, $0x1;
	s5 =	sadd.s32 s21, s3  }
0x9d: {  	[timem:s7], [sflag:s22] =	dma.local [hbm:s5], s20  }
0x9e: {  	_ =	swait.ge [sflag:s22], s20  }
0x9f: {  	s4 =	ssub.s32 $0x0, s20;
	[sflag:s22] =	ssyncset.done $0x0  }
0xa0: {  	[sflag:s22] =	ssyncadd.s32 s4;
	_ =	sdelay $0x1  }
0xa1: {  	s23 =	simm.s32 $0x1B8B  }
0xa2: {  	_ =	swait.ge [sflag:s23], $0x1  }
0xa3: {  	[sflag:s23] =	ssyncset.done $0x0  }
0xa4: {  	s25 =	simm.s32 $0x1B8E;
	s24 =	sld [smem:$0x3FFE];
	[sflag:s23] =	ssyncadd.s32 $0xFFFFFFFF  }
0xa5: {  	s26 =	simm.s32 $execute0_lowered;
	[smem:$0x3FD2] =	sst s25  }
0xa6: {  	s5 =	sshll.u32 s26, $0x1;
	_ =	strace $0x80000049;
	[dreg:$0x1] =	wrdreg $0xFFFFFFFF  }
0xa7: {  	s28 =	simm.s32 $_size_execute0_lowered;
	s3 =	sadd.s32 s3, s5;
	[dreg:$0x0] =	wrdreg $0x0  }
0xa8: {  	s5 =	sshll.u32 s28, $0x1;
	[dreg:$0x2] =	wrdreg s3  }
0xa9: {  	[dreg:$0x3] =	wrdreg s5  }
0xaa: {  	[dreg:$0x4] =	wrdreg $0xC0  }
0xab: {  	_ =	task [dreg:s7], $0x5FFFF  }
0xac: {  	[dreg:$0x1] =	wrdreg $0xFFFFFFFF  }
0xad: {  	[dreg:$0x0] =	wrdreg $0x60  }
0xae: {  	[dreg:$0x2] =	wrdreg s24  }
0xaf: {  	[dreg:$0x3] =	wrdreg s2  }
0xb0: {  	[dreg:$0x4] =	wrdreg $0x9  }
0xb1: {  	_ =	task.clear_ibuf [dreg:s7], $0x5FFFF;
	_ =	strace $0x90000049  }
0xb2: {  	s29 =	simm.s32 $0x9;
	_ =	strace $0x8000004B  }
0xb3: {  	_ =	swait.ge [sflag:s29], $0x1  }
0xb4: {  	[sflag:s29] =	ssyncadd.s32 $0xFFFFFFFF  }
0xb5: {  	_ =	strace $0x9000004B  }
0xb6: {  	_ =	sfence  }
0xb7: {  	s30 =	sld [smem:$0x0];
	_ =	sdelay $0x2  }
0xb8: {  	s31 =	sshll.u32 s1, $0xD;
	s1 =	sshrl.u32 s1, $0x2  }
0xb9: {  	s3 =	sand.u32 $0x4000, s31;
	s1 =	sadd.s32 s1, s30  }
0xba: {  	s0 =	sor.u32 s3, s0;
	s1 =	sshll.u32 s1, $0x11  }
0xbb: {  	s0 =	sor.u32 s1, s0  }
0xbc: {  	s0 =	sadd.s32 $0x8F2B, s0  }
0xbd: {  	[sflag:s0] =	ssyncadd.remote.s32 $0x1  }
0xbe: {  	_ =	sfence.sel $0xFFFF  }
0xbf: {  	[dreg:$0x0] =	wrdreg $0xFFFFFFFF;
	(pc) =	sbr.abs _section_cstart, $3  }
0xc0: {  	[dreg:$0x1] =	wrdreg $0xFFFFFFFF  }
0xc1: {  	_ =	task.clear_ibuf [dreg:s7], $0x2FFFF;
	_ =	strace $0x9FFFFFFF  }
0xc2: {  	(tm) =	ssettm $0x7FFFFFFF  }
0xc3: {  	_ =	shalt  }
tec
execute0_lowered:
.L_overlay_start_1:
0x0: {  	(tag) =	ssettag $0x1  }
0x1: {  	s0 =	rddreg [dreg:$0x0]  }
0x2: {  	s1 =	rddreg [dreg:$0x1];
	s2 =	srdreg.scid  }
0x3: {  	s3 =	simm.s32 $0x0;
	s6 =	stileid.u32;
	s28 =	simm.s32 $0x18800  }
0x4: {  	s29 =	simm.s32 $0x19480;
	s30 =	simm.s32 $0xC400;
	s2 =	sand.u32 $0x1, s2  }
0x5: {  	s31 =	simm.s32 $0x0;
	[smem:$0x7FF] =	sst s3;
	s4 =	sshll.u32 s2, $0x4  }
0x6: {  	s20 =	sadd.s32 $0x27F000, s0;
	s5 =	ssub.s32 $0x2, s2;
	s4 =	sor.u32 s6, s4  }
0x7: {  	s0 =	sadd.s32 $0x2000, s0;
	s21 =	sshrl.u32 s5, $0x1;
	s19 =	smul.u32 $0xC400, s4  }
0x8: {  	_ =	strace $0x8000004A;
	s5 =	ssub.s32 s5, s21;
	s4 =	sshll.u32 s2, $0x8  }
0x9: {  	s6 =	sor.u32 $0x80, s4;
	s22 =	sadd.s32 s20, s19;
	s23 =	sor.u32 $0x10, s19  }
0xa: {  	s7 =	sadd.s32 s0, s19;
	s11 =	sor.u32 $0x20, s19;
	s24 =	sor.u32 $0x30, s19  }
0xb: {  	s15 =	sor.u32 $0x40, s19;
	s25 =	sor.u32 $0x50, s19;
	s21 =	sor.u32 $0x60, s19  }
0xc: {  	s26 =	sor.u32 $0x70, s19;
	[dreg:$0x3] =	wrdreg s22;
	s8 =	sadd.s32 s20, s23  }
0xd: {  	s9 =	sadd.s32 s0, s23;
	s10 =	sadd.s32 s20, s11;
	s11 =	sadd.s32 s0, s11  }
0xe: {  	s12 =	sadd.s32 s20, s24;
	s13 =	sadd.s32 s0, s24;
	s14 =	sadd.s32 s20, s15  }
0xf: {  	s15 =	sadd.s32 s0, s15;
	s16 =	sadd.s32 s20, s25;
	s17 =	sadd.s32 s0, s25  }
0x10: {  	s18 =	sadd.s32 s20, s21;
	s19 =	sadd.s32 s0, s21;
	s20 =	sadd.s32 s20, s26  }
0x11: {  	s21 =	sadd.s32 s0, s26;
	s22 =	smax.u32 s5, $0x1;
	s23 =	simm.s32 $0x80  }
0x12: {  	v0 =	vimm.f32 $0.0e+00;
	s24 =	simm.s32 $0x400;
	s25 =	simm.s32 $0x1;
	s26 =	simm.s32 $0x200  }
.LBB2_1:
0x13: {  	s0 =	rddreg [dreg:$0x3]  }
0x14: {  	[tilespmem:s3], [sflag:$0x1] =	stream.strided.gather [hbm4b:s0+s23], $0xC400, s24, s23, $0x38;
	[tilespmem:$0x1A100] =	vst v63  }
0x15: {  	_ =	swait.ge [sflag:s25], $0xC400  }
0x16: {  	[sflag:s25] =	ssyncset.done $0x0  }
0x17: {  	s2 =	simm.s32 $0x0;
	s0 =	simm.s32 $0x40;
	[sflag:s25] =	ssyncadd.s32 $0xFFFF3C00  }
.LBB2_2:
0x18: {  	p0 =	sne.s32 s0, $0x30FC0;
	[tilespmem:s2+$0xC400] =	vst v0;
	s2 =	smov.u32 s0;
	s0 =	sadd.s32 $0x40, s0  }
.Ltmp0:
0x19: {  	(pc) =	sbr.rel @p0 .LBB2_2-.Ltmp0, $2  }
0x1a: {  	_ =	sdelay $0x2  }
0x1b: {  	s2 =	sshra.s32 s2, $0x2  }
0x1c: {  	[tilespmem:s2+$0xC400] =	vst v0;
	s0 =	simm.s32 $0x0  }
.LBB2_4:
0x1d: {  	s2 =	smul.u32 $0x3200, s0;
	_ =	sdelay $0x1  }
0x1e: {  	s5 =	sor.u32 s4, s2  }
0x1f: {  	s5 =	sshrl.u32 s5, $0x3  }
0x20: {  	s5 =	sadd.s32 s1, s5  }
0x21: {  	[tilespmem:s28], [sflag:$0x1] =	stream.strided.gather [hbm4b:s5+s23], $0xC80, s26, s23, $0x38;
	[tilespmem:$0x1A100] =	vst v63  }
0x22: {  	s2 =	sor.u32 s6, s2;
	_ =	swait.ge [sflag:s25], $0xC80  }
0x23: {  	s2 =	sshrl.u32 s2, $0x3;
	[sflag:s25] =	ssyncset.done $0x0  }
0x24: {  	s2 =	sadd.s32 s1, s2;
	[sflag:s25] =	ssyncadd.s32 $0xFFFFF380  }
0x25: {  	[tilespmem:s29], [sflag:$0x1] =	stream.strided.gather [hbm4b:s2+s23], $0xC80, s26, s23, $0x38;
	[tilespmem:$0x1A100] =	vst v63  }
0x26: {  	_ =	swait.ge [sflag:s25], $0xC80  }
0x27: {  	[sflag:s25] =	ssyncset.done $0x0  }
0x28: {  	s5 =	simm.s32 $0x0;
	s2 =	simm.s32 $0x40;
	[sflag:s25] =	ssyncadd.s32 $0xFFFFF380  }
.LBB2_5:
0x29: {  	p0 =	sne.s32 s2, $0x31C0;
	v1 =	vld [tilespmem:s5+$0x18800];
	_ =	sdelay $0x5  }
0x2a: {  	v2 =	vld [tilespmem:s5+$0x19480];
	_ =	sdelay $0x1  }
0x2b: {  	v1 =	vld.idx.msk [tilespmem:v1+s3+$0x0], $0xffff;
	_ =	sdelay $0x1  }
.Ltmp1:
0x2c: {  	(pc) =	sbr.rel @p0 .LBB2_5-.Ltmp1, $2  }
0x2d: {  	_ =	sdelay $0x2  }
0x2e: {  	s5 =	sshra.s32 s2, $0x2;
	s2 =	sadd.s32 $0x40, s2;
	[tilespmem:v2+s30+$0x0] =	vst.idx.add.f32.msk $0xffff, v1  }
0x2f: {  	v1 =	vld [tilespmem:s5+$0x18800];
	_ =	sdelay $0x4  }
0x30: {  	v2 =	vld [tilespmem:s5+$0x19480];
	_ =	sdelay $0x1  }
0x31: {  	s0 =	sadd.s32 $0x1, s0  }
0x32: {  	p0 =	sne.s32 s0, $0x80;
	v1 =	vld.idx.msk [tilespmem:v1+s3+$0x0], $0xffff  }
.Ltmp2:
0x33: {  	_ = 	snop;
	(pc) =	sbr.rel @p0 .LBB2_4-.Ltmp2, $2  }
0x34: {  	_ =	sdelay $0x2  }
0x35: {  	[tilespmem:v2+s30+$0x0] =	vst.idx.add.f32.msk $0xffff, v1  }
0x36: {  	[hbm4b:s7+s23] =	stream.strided.scatter [tilespmem:s30], [sflag:$0x1], $0xC400, s24, s23, $0x38;
	[tilespmem:$0x1A100] =	vst v63  }
0x37: {  	_ =	swait.ge [sflag:s25], $0xC400  }
0x38: {  	[sflag:s25] =	ssyncset.done $0x0  }
0x39: {  	s0 =	simm.s32 $0x0;
	[sflag:s25] =	ssyncadd.s32 $0xFFFF3C00  }
0x3a: {  	[tilespmem:s0], [sflag:$0x1] =	stream.strided.gather [hbm4b:s8+s23], $0xC400, s24, s23, $0x38;
	[tilespmem:$0x1A100] =	vst v63  }
0x3b: {  	_ =	swait.ge [sflag:s25], $0xC400  }
0x3c: {  	[sflag:s25] =	ssyncset.done $0x0  }
0x3d: {  	s2 =	simm.s32 $0x40;
	s5 =	simm.s32 $0x0;
	[sflag:s25] =	ssyncadd.s32 $0xFFFF3C00  }
.LBB2_8:
0x3e: {  	p0 =	sne.s32 s2, $0x30FC0;
	[tilespmem:s5+$0xC400] =	vst v0;
	s5 =	smov.u32 s2;
	s2 =	sadd.s32 $0x40, s2  }
.Ltmp3:
0x3f: {  	(pc) =	sbr.rel @p0 .LBB2_8-.Ltmp3, $2  }
0x40: {  	_ =	sdelay $0x2  }
0x41: {  	s5 =	sshra.s32 s5, $0x2  }
0x42: {  	[tilespmem:s5+$0xC400] =	vst v0  }
.LBB2_10:
0x43: {  	s2 =	smul.u32 $0x3200, s0;
	_ =	sdelay $0x1  }
0x44: {  	s5 =	sor.u32 s4, s2  }
0x45: {  	s5 =	sshrl.u32 s5, $0x3  }
0x46: {  	s5 =	sadd.s32 s1, s5  }
0x47: {  	[tilespmem:s28], [sflag:$0x1] =	stream.strided.gather [hbm4b:s5+s23], $0xC80, s26, s23, $0x38;
	[tilespmem:$0x1A100] =	vst v63  }
0x48: {  	s2 =	sor.u32 s6, s2;
	_ =	swait.ge [sflag:s25], $0xC80  }
0x49: {  	s2 =	sshrl.u32 s2, $0x3;
	[sflag:s25] =	ssyncset.done $0x0  }
0x4a: {  	s2 =	sadd.s32 s1, s2;
	[sflag:s25] =	ssyncadd.s32 $0xFFFFF380  }
0x4b: {  	[tilespmem:s29], [sflag:$0x1] =	stream.strided.gather [hbm4b:s2+s23], $0xC80, s26, s23, $0x38;
	[tilespmem:$0x1A100] =	vst v63  }
0x4c: {  	_ =	swait.ge [sflag:s25], $0xC80  }
0x4d: {  	[sflag:s25] =	ssyncset.done $0x0  }
0x4e: {  	s5 =	simm.s32 $0x0;
	s2 =	simm.s32 $0x40;
	[sflag:s25] =	ssyncadd.s32 $0xFFFFF380  }
.LBB2_11:
0x4f: {  	p0 =	sne.s32 s2, $0x31C0;
	v1 =	vld [tilespmem:s5+$0x18800];
	_ =	sdelay $0x5  }
0x50: {  	v2 =	vld [tilespmem:s5+$0x19480];
	_ =	sdelay $0x1  }
0x51: {  	v1 =	vld.idx.msk [tilespmem:v1+s3+$0x0], $0xffff;
	_ =	sdelay $0x1  }
.Ltmp4:
0x52: {  	(pc) =	sbr.rel @p0 .LBB2_11-.Ltmp4, $2  }
0x53: {  	_ =	sdelay $0x2  }
0x54: {  	s5 =	sshra.s32 s2, $0x2;
	s2 =	sadd.s32 $0x40, s2;
	[tilespmem:v2+s30+$0x0] =	vst.idx.add.f32.msk $0xffff, v1  }
0x55: {  	v1 =	vld [tilespmem:s5+$0x18800];
	_ =	sdelay $0x4  }
0x56: {  	v2 =	vld [tilespmem:s5+$0x19480];
	_ =	sdelay $0x1  }
0x57: {  	s0 =	sadd.s32 $0x1, s0  }
0x58: {  	p0 =	sne.s32 s0, $0x80;
	v1 =	vld.idx.msk [tilespmem:v1+s3+$0x0], $0xffff  }
.Ltmp5:
0x59: {  	_ = 	snop;
	(pc) =	sbr.rel @p0 .LBB2_10-.Ltmp5, $2  }
0x5a: {  	_ =	sdelay $0x2  }
0x5b: {  	[tilespmem:v2+s30+$0x0] =	vst.idx.add.f32.msk $0xffff, v1  }
0x5c: {  	[hbm4b:s9+s23] =	stream.strided.scatter [tilespmem:s30], [sflag:$0x1], $0xC400, s24, s23, $0x38;
	[tilespmem:$0x1A100] =	vst v63  }
0x5d: {  	_ =	swait.ge [sflag:s25], $0xC400  }
0x5e: {  	[sflag:s25] =	ssyncset.done $0x0  }
0x5f: {  	s0 =	simm.s32 $0x0;
	[sflag:s25] =	ssyncadd.s32 $0xFFFF3C00  }
0x60: {  	[tilespmem:s0], [sflag:$0x1] =	stream.strided.gather [hbm4b:s10+s23], $0xC400, s24, s23, $0x38;
	[tilespmem:$0x1A100] =	vst v63  }
0x61: {  	_ =	swait.ge [sflag:s25], $0xC400  }
0x62: {  	[sflag:s25] =	ssyncset.done $0x0  }
0x63: {  	s2 =	simm.s32 $0x40;
	s5 =	simm.s32 $0x0;
	[sflag:s25] =	ssyncadd.s32 $0xFFFF3C00  }
.LBB2_14:
0x64: {  	p0 =	sne.s32 s2, $0x30FC0;
	[tilespmem:s5+$0xC400] =	vst v0;
	s5 =	smov.u32 s2;
	s2 =	sadd.s32 $0x40, s2  }
.Ltmp6:
0x65: {  	(pc) =	sbr.rel @p0 .LBB2_14-.Ltmp6, $2  }
0x66: {  	_ =	sdelay $0x2  }
0x67: {  	s5 =	sshra.s32 s5, $0x2  }
0x68: {  	[tilespmem:s5+$0xC400] =	vst v0  }
.LBB2_16:
0x69: {  	s2 =	smul.u32 $0x3200, s0;
	_ =	sdelay $0x1  }
0x6a: {  	s5 =	sor.u32 s4, s2  }
0x6b: {  	s5 =	sshrl.u32 s5, $0x3  }
0x6c: {  	s5 =	sadd.s32 s1, s5  }
0x6d: {  	[tilespmem:s28], [sflag:$0x1] =	stream.strided.gather [hbm4b:s5+s23], $0xC80, s26, s23, $0x38;
	[tilespmem:$0x1A100] =	vst v63  }
0x6e: {  	s2 =	sor.u32 s6, s2;
	_ =	swait.ge [sflag:s25], $0xC80  }
0x6f: {  	s2 =	sshrl.u32 s2, $0x3;
	[sflag:s25] =	ssyncset.done $0x0  }
0x70: {  	s2 =	sadd.s32 s1, s2;
	[sflag:s25] =	ssyncadd.s32 $0xFFFFF380  }
0x71: {  	[tilespmem:s29], [sflag:$0x1] =	stream.strided.gather [hbm4b:s2+s23], $0xC80, s26, s23, $0x38;
	[tilespmem:$0x1A100] =	vst v63  }
0x72: {  	_ =	swait.ge [sflag:s25], $0xC80  }
0x73: {  	[sflag:s25] =	ssyncset.done $0x0  }
0x74: {  	s5 =	simm.s32 $0x0;
	s2 =	simm.s32 $0x40;
	[sflag:s25] =	ssyncadd.s32 $0xFFFFF380  }
.LBB2_17:
0x75: {  	p0 =	sne.s32 s2, $0x31C0;
	v1 =	vld [tilespmem:s5+$0x18800];
	_ =	sdelay $0x5  }
0x76: {  	v2 =	vld [tilespmem:s5+$0x19480];
	_ =	sdelay $0x1  }
0x77: {  	v1 =	vld.idx.msk [tilespmem:v1+s3+$0x0], $0xffff;
	_ =	sdelay $0x1  }
.Ltmp7:
0x78: {  	(pc) =	sbr.rel @p0 .LBB2_17-.Ltmp7, $2  }
0x79: {  	_ =	sdelay $0x2  }
0x7a: {  	s5 =	sshra.s32 s2, $0x2;
	s2 =	sadd.s32 $0x40, s2;
	[tilespmem:v2+s30+$0x0] =	vst.idx.add.f32.msk $0xffff, v1  }
0x7b: {  	v1 =	vld [tilespmem:s5+$0x18800];
	_ =	sdelay $0x4  }
0x7c: {  	v2 =	vld [tilespmem:s5+$0x19480];
	_ =	sdelay $0x1  }
0x7d: {  	s0 =	sadd.s32 $0x1, s0  }
0x7e: {  	p0 =	sne.s32 s0, $0x80;
	v1 =	vld.idx.msk [tilespmem:v1+s3+$0x0], $0xffff  }
.Ltmp8:
0x7f: {  	_ = 	snop;
	(pc) =	sbr.rel @p0 .LBB2_16-.Ltmp8, $2  }
0x80: {  	_ =	sdelay $0x2  }
0x81: {  	[tilespmem:v2+s30+$0x0] =	vst.idx.add.f32.msk $0xffff, v1  }
0x82: {  	[hbm4b:s11+s23] =	stream.strided.scatter [tilespmem:s30], [sflag:$0x1], $0xC400, s24, s23, $0x38;
	[tilespmem:$0x1A100] =	vst v63  }
0x83: {  	_ =	swait.ge [sflag:s25], $0xC400  }
0x84: {  	[sflag:s25] =	ssyncset.done $0x0  }
0x85: {  	s0 =	simm.s32 $0x0;
	[sflag:s25] =	ssyncadd.s32 $0xFFFF3C00  }
0x86: {  	[tilespmem:s0], [sflag:$0x1] =	stream.strided.gather [hbm4b:s12+s23], $0xC400, s24, s23, $0x38;
	[tilespmem:$0x1A100] =	vst v63  }
0x87: {  	_ =	swait.ge [sflag:s25], $0xC400  }
0x88: {  	[sflag:s25] =	ssyncset.done $0x0  }
0x89: {  	s2 =	simm.s32 $0x40;
	s5 =	simm.s32 $0x0;
	[sflag:s25] =	ssyncadd.s32 $0xFFFF3C00  }
.LBB2_20:
0x8a: {  	p0 =	sne.s32 s2, $0x30FC0;
	[tilespmem:s5+$0xC400] =	vst v0;
	s5 =	smov.u32 s2;
	s2 =	sadd.s32 $0x40, s2  }
.Ltmp9:
0x8b: {  	(pc) =	sbr.rel @p0 .LBB2_20-.Ltmp9, $2  }
0x8c: {  	_ =	sdelay $0x2  }
0x8d: {  	s5 =	sshra.s32 s5, $0x2  }
0x8e: {  	[tilespmem:s5+$0xC400] =	vst v0  }
.LBB2_22:
0x8f: {  	s2 =	smul.u32 $0x3200, s0;
	_ =	sdelay $0x1  }
0x90: {  	s5 =	sor.u32 s4, s2  }
0x91: {  	s5 =	sshrl.u32 s5, $0x3  }
0x92: {  	s5 =	sadd.s32 s1, s5  }
0x93: {  	[tilespmem:s28], [sflag:$0x1] =	stream.strided.gather [hbm4b:s5+s23], $0xC80, s26, s23, $0x38;
	[tilespmem:$0x1A100] =	vst v63  }
0x94: {  	s2 =	sor.u32 s6, s2;
	_ =	swait.ge [sflag:s25], $0xC80  }
0x95: {  	s2 =	sshrl.u32 s2, $0x3;
	[sflag:s25] =	ssyncset.done $0x0  }
0x96: {  	s2 =	sadd.s32 s1, s2;
	[sflag:s25] =	ssyncadd.s32 $0xFFFFF380  }
0x97: {  	[tilespmem:s29], [sflag:$0x1] =	stream.strided.gather [hbm4b:s2+s23], $0xC80, s26, s23, $0x38;
	[tilespmem:$0x1A100] =	vst v63  }
0x98: {  	_ =	swait.ge [sflag:s25], $0xC80  }
0x99: {  	[sflag:s25] =	ssyncset.done $0x0  }
0x9a: {  	s5 =	simm.s32 $0x0;
	s2 =	simm.s32 $0x40;
	[sflag:s25] =	ssyncadd.s32 $0xFFFFF380  }
.LBB2_23:
0x9b: {  	p0 =	sne.s32 s2, $0x31C0;
	v1 =	vld [tilespmem:s5+$0x18800];
	_ =	sdelay $0x5  }
0x9c: {  	v2 =	vld [tilespmem:s5+$0x19480];
	_ =	sdelay $0x1  }
0x9d: {  	v1 =	vld.idx.msk [tilespmem:v1+s3+$0x0], $0xffff;
	_ =	sdelay $0x1  }
.Ltmp10:
0x9e: {  	(pc) =	sbr.rel @p0 .LBB2_23-.Ltmp10, $2  }
0x9f: {  	_ =	sdelay $0x2  }
0xa0: {  	s5 =	sshra.s32 s2, $0x2;
	s2 =	sadd.s32 $0x40, s2;
	[tilespmem:v2+s30+$0x0] =	vst.idx.add.f32.msk $0xffff, v1  }
0xa1: {  	v1 =	vld [tilespmem:s5+$0x18800];
	_ =	sdelay $0x4  }
0xa2: {  	v2 =	vld [tilespmem:s5+$0x19480];
	_ =	sdelay $0x1  }
0xa3: {  	s0 =	sadd.s32 $0x1, s0  }
0xa4: {  	p0 =	sne.s32 s0, $0x80;
	v1 =	vld.idx.msk [tilespmem:v1+s3+$0x0], $0xffff  }
.Ltmp11:
0xa5: {  	_ = 	snop;
	(pc) =	sbr.rel @p0 .LBB2_22-.Ltmp11, $2  }
0xa6: {  	_ =	sdelay $0x2  }
0xa7: {  	[tilespmem:v2+s30+$0x0] =	vst.idx.add.f32.msk $0xffff, v1  }
0xa8: {  	[hbm4b:s13+s23] =	stream.strided.scatter [tilespmem:s30], [sflag:$0x1], $0xC400, s24, s23, $0x38;
	[tilespmem:$0x1A100] =	vst v63  }
0xa9: {  	_ =	swait.ge [sflag:s25], $0xC400  }
0xaa: {  	[sflag:s25] =	ssyncset.done $0x0  }
0xab: {  	s0 =	simm.s32 $0x0;
	[sflag:s25] =	ssyncadd.s32 $0xFFFF3C00  }
0xac: {  	[tilespmem:s0], [sflag:$0x1] =	stream.strided.gather [hbm4b:s14+s23], $0xC400, s24, s23, $0x38;
	[tilespmem:$0x1A100] =	vst v63  }
0xad: {  	_ =	swait.ge [sflag:s25], $0xC400  }
0xae: {  	[sflag:s25] =	ssyncset.done $0x0  }
0xaf: {  	s2 =	simm.s32 $0x40;
	s5 =	simm.s32 $0x0;
	[sflag:s25] =	ssyncadd.s32 $0xFFFF3C00  }
.LBB2_26:
0xb0: {  	p0 =	sne.s32 s2, $0x30FC0;
	[tilespmem:s5+$0xC400] =	vst v0;
	s5 =	smov.u32 s2;
	s2 =	sadd.s32 $0x40, s2  }
.Ltmp12:
0xb1: {  	(pc) =	sbr.rel @p0 .LBB2_26-.Ltmp12, $2  }
0xb2: {  	_ =	sdelay $0x2  }
0xb3: {  	s5 =	sshra.s32 s5, $0x2  }
0xb4: {  	[tilespmem:s5+$0xC400] =	vst v0  }
.LBB2_28:
0xb5: {  	s2 =	smul.u32 $0x3200, s0;
	_ =	sdelay $0x1  }
0xb6: {  	s5 =	sor.u32 s4, s2  }
0xb7: {  	s5 =	sshrl.u32 s5, $0x3  }
0xb8: {  	s5 =	sadd.s32 s1, s5  }
0xb9: {  	[tilespmem:s28], [sflag:$0x1] =	stream.strided.gather [hbm4b:s5+s23], $0xC80, s26, s23, $0x38;
	[tilespmem:$0x1A100] =	vst v63  }
0xba: {  	s2 =	sor.u32 s6, s2;
	_ =	swait.ge [sflag:s25], $0xC80  }
0xbb: {  	s2 =	sshrl.u32 s2, $0x3;
	[sflag:s25] =	ssyncset.done $0x0  }
0xbc: {  	s2 =	sadd.s32 s1, s2;
	[sflag:s25] =	ssyncadd.s32 $0xFFFFF380  }
0xbd: {  	[tilespmem:s29], [sflag:$0x1] =	stream.strided.gather [hbm4b:s2+s23], $0xC80, s26, s23, $0x38;
	[tilespmem:$0x1A100] =	vst v63  }
0xbe: {  	_ =	swait.ge [sflag:s25], $0xC80  }
0xbf: {  	[sflag:s25] =	ssyncset.done $0x0  }
0xc0: {  	s5 =	simm.s32 $0x0;
	s2 =	simm.s32 $0x40;
	[sflag:s25] =	ssyncadd.s32 $0xFFFFF380  }
.LBB2_29:
0xc1: {  	p0 =	sne.s32 s2, $0x31C0;
	v1 =	vld [tilespmem:s5+$0x18800];
	_ =	sdelay $0x5  }
0xc2: {  	v2 =	vld [tilespmem:s5+$0x19480];
	_ =	sdelay $0x1  }
0xc3: {  	v1 =	vld.idx.msk [tilespmem:v1+s3+$0x0], $0xffff;
	_ =	sdelay $0x1  }
.Ltmp13:
0xc4: {  	(pc) =	sbr.rel @p0 .LBB2_29-.Ltmp13, $2  }
0xc5: {  	_ =	sdelay $0x2  }
0xc6: {  	s5 =	sshra.s32 s2, $0x2;
	s2 =	sadd.s32 $0x40, s2;
	[tilespmem:v2+s30+$0x0] =	vst.idx.add.f32.msk $0xffff, v1  }
0xc7: {  	v1 =	vld [tilespmem:s5+$0x18800];
	_ =	sdelay $0x4  }
0xc8: {  	v2 =	vld [tilespmem:s5+$0x19480];
	_ =	sdelay $0x1  }
0xc9: {  	s0 =	sadd.s32 $0x1, s0  }
0xca: {  	p0 =	sne.s32 s0, $0x80;
	v1 =	vld.idx.msk [tilespmem:v1+s3+$0x0], $0xffff  }
.Ltmp14:
0xcb: {  	_ = 	snop;
	(pc) =	sbr.rel @p0 .LBB2_28-.Ltmp14, $2  }
0xcc: {  	_ =	sdelay $0x2  }
0xcd: {  	[tilespmem:v2+s30+$0x0] =	vst.idx.add.f32.msk $0xffff, v1  }
0xce: {  	[hbm4b:s15+s23] =	stream.strided.scatter [tilespmem:s30], [sflag:$0x1], $0xC400, s24, s23, $0x38;
	[tilespmem:$0x1A100] =	vst v63  }
0xcf: {  	_ =	swait.ge [sflag:s25], $0xC400  }
0xd0: {  	[sflag:s25] =	ssyncset.done $0x0  }
0xd1: {  	s0 =	simm.s32 $0x0;
	[sflag:s25] =	ssyncadd.s32 $0xFFFF3C00  }
0xd2: {  	[tilespmem:s0], [sflag:$0x1] =	stream.strided.gather [hbm4b:s16+s23], $0xC400, s24, s23, $0x38;
	[tilespmem:$0x1A100] =	vst v63  }
0xd3: {  	_ =	swait.ge [sflag:s25], $0xC400  }
0xd4: {  	[sflag:s25] =	ssyncset.done $0x0  }
0xd5: {  	s2 =	simm.s32 $0x40;
	s5 =	simm.s32 $0x0;
	[sflag:s25] =	ssyncadd.s32 $0xFFFF3C00  }
.LBB2_32:
0xd6: {  	p0 =	sne.s32 s2, $0x30FC0;
	[tilespmem:s5+$0xC400] =	vst v0;
	s5 =	smov.u32 s2;
	s2 =	sadd.s32 $0x40, s2  }
.Ltmp15:
0xd7: {  	(pc) =	sbr.rel @p0 .LBB2_32-.Ltmp15, $2  }
0xd8: {  	_ =	sdelay $0x2  }
0xd9: {  	s5 =	sshra.s32 s5, $0x2  }
0xda: {  	[tilespmem:s5+$0xC400] =	vst v0  }
.LBB2_34:
0xdb: {  	s2 =	smul.u32 $0x3200, s0;
	_ =	sdelay $0x1  }
0xdc: {  	s5 =	sor.u32 s4, s2  }
0xdd: {  	s5 =	sshrl.u32 s5, $0x3  }
0xde: {  	s5 =	sadd.s32 s1, s5  }
0xdf: {  	[tilespmem:s28], [sflag:$0x1] =	stream.strided.gather [hbm4b:s5+s23], $0xC80, s26, s23, $0x38;
	[tilespmem:$0x1A100] =	vst v63  }
0xe0: {  	s2 =	sor.u32 s6, s2;
	_ =	swait.ge [sflag:s25], $0xC80  }
0xe1: {  	s2 =	sshrl.u32 s2, $0x3;
	[sflag:s25] =	ssyncset.done $0x0  }
0xe2: {  	s2 =	sadd.s32 s1, s2;
	[sflag:s25] =	ssyncadd.s32 $0xFFFFF380  }
0xe3: {  	[tilespmem:s29], [sflag:$0x1] =	stream.strided.gather [hbm4b:s2+s23], $0xC80, s26, s23, $0x38;
	[tilespmem:$0x1A100] =	vst v63  }
0xe4: {  	_ =	swait.ge [sflag:s25], $0xC80  }
0xe5: {  	[sflag:s25] =	ssyncset.done $0x0  }
0xe6: {  	s5 =	simm.s32 $0x0;
	s2 =	simm.s32 $0x40;
	[sflag:s25] =	ssyncadd.s32 $0xFFFFF380  }
.LBB2_35:
0xe7: {  	p0 =	sne.s32 s2, $0x31C0;
	v1 =	vld [tilespmem:s5+$0x18800];
	_ =	sdelay $0x5  }
0xe8: {  	v2 =	vld [tilespmem:s5+$0x19480];
	_ =	sdelay $0x1  }
0xe9: {  	v1 =	vld.idx.msk [tilespmem:v1+s3+$0x0], $0xffff;
	_ =	sdelay $0x1  }
.Ltmp16:
0xea: {  	(pc) =	sbr.rel @p0 .LBB2_35-.Ltmp16, $2  }
0xeb: {  	_ =	sdelay $0x2  }
0xec: {  	s5 =	sshra.s32 s2, $0x2;
	s2 =	sadd.s32 $0x40, s2;
	[tilespmem:v2+s30+$0x0] =	vst.idx.add.f32.msk $0xffff, v1  }
0xed: {  	v1 =	vld [tilespmem:s5+$0x18800];
	_ =	sdelay $0x4  }
0xee: {  	v2 =	vld [tilespmem:s5+$0x19480];
	_ =	sdelay $0x1  }
0xef: {  	s0 =	sadd.s32 $0x1, s0  }
0xf0: {  	p0 =	sne.s32 s0, $0x80;
	v1 =	vld.idx.msk [tilespmem:v1+s3+$0x0], $0xffff  }
.Ltmp17:
0xf1: {  	_ = 	snop;
	(pc) =	sbr.rel @p0 .LBB2_34-.Ltmp17, $2  }
0xf2: {  	_ =	sdelay $0x2  }
0xf3: {  	[tilespmem:v2+s30+$0x0] =	vst.idx.add.f32.msk $0xffff, v1  }
0xf4: {  	[hbm4b:s17+s23] =	stream.strided.scatter [tilespmem:s30], [sflag:$0x1], $0xC400, s24, s23, $0x38;
	[tilespmem:$0x1A100] =	vst v63  }
0xf5: {  	_ =	swait.ge [sflag:s25], $0xC400  }
0xf6: {  	[sflag:s25] =	ssyncset.done $0x0  }
0xf7: {  	s0 =	simm.s32 $0x0;
	[sflag:s25] =	ssyncadd.s32 $0xFFFF3C00  }
0xf8: {  	[tilespmem:s0], [sflag:$0x1] =	stream.strided.gather [hbm4b:s18+s23], $0xC400, s24, s23, $0x38;
	[tilespmem:$0x1A100] =	vst v63  }
0xf9: {  	_ =	swait.ge [sflag:s25], $0xC400  }
0xfa: {  	[sflag:s25] =	ssyncset.done $0x0  }
0xfb: {  	s2 =	simm.s32 $0x40;
	s5 =	simm.s32 $0x0;
	[sflag:s25] =	ssyncadd.s32 $0xFFFF3C00  }
.LBB2_38:
0xfc: {  	p0 =	sne.s32 s2, $0x30FC0;
	[tilespmem:s5+$0xC400] =	vst v0;
	s5 =	smov.u32 s2;
	s2 =	sadd.s32 $0x40, s2  }
.Ltmp18:
0xfd: {  	(pc) =	sbr.rel @p0 .LBB2_38-.Ltmp18, $2  }
0xfe: {  	_ =	sdelay $0x2  }
0xff: {  	s5 =	sshra.s32 s5, $0x2  }
0x100: {  	[tilespmem:s5+$0xC400] =	vst v0  }
.LBB2_40:
0x101: {  	s2 =	smul.u32 $0x3200, s0;
	_ =	sdelay $0x1  }
0x102: {  	s5 =	sor.u32 s4, s2  }
0x103: {  	s5 =	sshrl.u32 s5, $0x3  }
0x104: {  	s5 =	sadd.s32 s1, s5  }
0x105: {  	[tilespmem:s28], [sflag:$0x1] =	stream.strided.gather [hbm4b:s5+s23], $0xC80, s26, s23, $0x38;
	[tilespmem:$0x1A100] =	vst v63  }
0x106: {  	s2 =	sor.u32 s6, s2;
	_ =	swait.ge [sflag:s25], $0xC80  }
0x107: {  	s2 =	sshrl.u32 s2, $0x3;
	[sflag:s25] =	ssyncset.done $0x0  }
0x108: {  	s2 =	sadd.s32 s1, s2;
	[sflag:s25] =	ssyncadd.s32 $0xFFFFF380  }
0x109: {  	[tilespmem:s29], [sflag:$0x1] =	stream.strided.gather [hbm4b:s2+s23], $0xC80, s26, s23, $0x38;
	[tilespmem:$0x1A100] =	vst v63  }
0x10a: {  	_ =	swait.ge [sflag:s25], $0xC80  }
0x10b: {  	[sflag:s25] =	ssyncset.done $0x0  }
0x10c: {  	s5 =	simm.s32 $0x0;
	s2 =	simm.s32 $0x40;
	[sflag:s25] =	ssyncadd.s32 $0xFFFFF380  }
.LBB2_41:
0x10d: {  	p0 =	sne.s32 s2, $0x31C0;
	v1 =	vld [tilespmem:s5+$0x18800];
	_ =	sdelay $0x5  }
0x10e: {  	v2 =	vld [tilespmem:s5+$0x19480];
	_ =	sdelay $0x1  }
0x10f: {  	v1 =	vld.idx.msk [tilespmem:v1+s3+$0x0], $0xffff;
	_ =	sdelay $0x1  }
.Ltmp19:
0x110: {  	(pc) =	sbr.rel @p0 .LBB2_41-.Ltmp19, $2  }
0x111: {  	_ =	sdelay $0x2  }
0x112: {  	s5 =	sshra.s32 s2, $0x2;
	s2 =	sadd.s32 $0x40, s2;
	[tilespmem:v2+s30+$0x0] =	vst.idx.add.f32.msk $0xffff, v1  }
0x113: {  	v1 =	vld [tilespmem:s5+$0x18800];
	_ =	sdelay $0x4  }
0x114: {  	v2 =	vld [tilespmem:s5+$0x19480];
	_ =	sdelay $0x1  }
0x115: {  	s0 =	sadd.s32 $0x1, s0  }
0x116: {  	p0 =	sne.s32 s0, $0x80;
	v1 =	vld.idx.msk [tilespmem:v1+s3+$0x0], $0xffff  }
.Ltmp20:
0x117: {  	_ = 	snop;
	(pc) =	sbr.rel @p0 .LBB2_40-.Ltmp20, $2  }
0x118: {  	_ =	sdelay $0x2  }
0x119: {  	[tilespmem:v2+s30+$0x0] =	vst.idx.add.f32.msk $0xffff, v1  }
0x11a: {  	[hbm4b:s19+s23] =	stream.strided.scatter [tilespmem:s30], [sflag:$0x1], $0xC400, s24, s23, $0x38;
	[tilespmem:$0x1A100] =	vst v63  }
0x11b: {  	_ =	swait.ge [sflag:s25], $0xC400  }
0x11c: {  	[sflag:s25] =	ssyncset.done $0x0  }
0x11d: {  	s0 =	simm.s32 $0x0;
	[sflag:s25] =	ssyncadd.s32 $0xFFFF3C00  }
0x11e: {  	[tilespmem:s0], [sflag:$0x1] =	stream.strided.gather [hbm4b:s20+s23], $0xC400, s24, s23, $0x38;
	[tilespmem:$0x1A100] =	vst v63  }
0x11f: {  	_ =	swait.ge [sflag:s25], $0xC400  }
0x120: {  	[sflag:s25] =	ssyncset.done $0x0  }
0x121: {  	s2 =	simm.s32 $0x40;
	s5 =	simm.s32 $0x0;
	[sflag:s25] =	ssyncadd.s32 $0xFFFF3C00  }
.LBB2_44:
0x122: {  	p0 =	sne.s32 s2, $0x30FC0;
	[tilespmem:s5+$0xC400] =	vst v0;
	s5 =	smov.u32 s2;
	s2 =	sadd.s32 $0x40, s2  }
.Ltmp21:
0x123: {  	(pc) =	sbr.rel @p0 .LBB2_44-.Ltmp21, $2  }
0x124: {  	_ =	sdelay $0x2  }
0x125: {  	s5 =	sshra.s32 s5, $0x2  }
0x126: {  	[tilespmem:s5+$0xC400] =	vst v0  }
.LBB2_46:
0x127: {  	s2 =	smul.u32 $0x3200, s0;
	_ =	sdelay $0x1  }
0x128: {  	s5 =	sor.u32 s4, s2  }
0x129: {  	s5 =	sshrl.u32 s5, $0x3  }
0x12a: {  	s5 =	sadd.s32 s1, s5  }
0x12b: {  	[tilespmem:s28], [sflag:$0x1] =	stream.strided.gather [hbm4b:s5+s23], $0xC80, s26, s23, $0x38;
	[tilespmem:$0x1A100] =	vst v63  }
0x12c: {  	s2 =	sor.u32 s6, s2;
	_ =	swait.ge [sflag:s25], $0xC80  }
0x12d: {  	s2 =	sshrl.u32 s2, $0x3;
	[sflag:s25] =	ssyncset.done $0x0  }
0x12e: {  	s2 =	sadd.s32 s1, s2;
	[sflag:s25] =	ssyncadd.s32 $0xFFFFF380  }
0x12f: {  	[tilespmem:s29], [sflag:$0x1] =	stream.strided.gather [hbm4b:s2+s23], $0xC80, s26, s23, $0x38;
	[tilespmem:$0x1A100] =	vst v63  }
0x130: {  	_ =	swait.ge [sflag:s25], $0xC80  }
0x131: {  	[sflag:s25] =	ssyncset.done $0x0  }
0x132: {  	s5 =	simm.s32 $0x0;
	s2 =	simm.s32 $0x40;
	[sflag:s25] =	ssyncadd.s32 $0xFFFFF380  }
.LBB2_47:
0x133: {  	p0 =	sne.s32 s2, $0x31C0;
	v1 =	vld [tilespmem:s5+$0x18800];
	_ =	sdelay $0x5  }
0x134: {  	v2 =	vld [tilespmem:s5+$0x19480];
	_ =	sdelay $0x1  }
0x135: {  	v1 =	vld.idx.msk [tilespmem:v1+s3+$0x0], $0xffff;
	_ =	sdelay $0x1  }
.Ltmp22:
0x136: {  	(pc) =	sbr.rel @p0 .LBB2_47-.Ltmp22, $2  }
0x137: {  	_ =	sdelay $0x2  }
0x138: {  	s5 =	sshra.s32 s2, $0x2;
	s2 =	sadd.s32 $0x40, s2;
	[tilespmem:v2+s30+$0x0] =	vst.idx.add.f32.msk $0xffff, v1  }
0x139: {  	v1 =	vld [tilespmem:s5+$0x18800];
	_ =	sdelay $0x4  }
0x13a: {  	v2 =	vld [tilespmem:s5+$0x19480];
	_ =	sdelay $0x1  }
0x13b: {  	s0 =	sadd.s32 $0x1, s0  }
0x13c: {  	p0 =	sne.s32 s0, $0x80;
	v1 =	vld.idx.msk [tilespmem:v1+s3+$0x0], $0xffff  }
.Ltmp23:
0x13d: {  	_ = 	snop;
	(pc) =	sbr.rel @p0 .LBB2_46-.Ltmp23, $2  }
0x13e: {  	_ =	sdelay $0x2  }
0x13f: {  	[tilespmem:v2+s30+$0x0] =	vst.idx.add.f32.msk $0xffff, v1  }
0x140: {  	s31 =	sadd.s32 $0x1, s31  }
0x141: {  	p0 =	sne.s32 s31, s22  }
.Ltmp24:
0x142: {  	_ = 	snop;
	(pc) =	sbr.rel @p0 .LBB2_1-.Ltmp24, $4  }
0x143: {  	[hbm4b:s21+s23] =	stream.strided.scatter [tilespmem:s30], [sflag:$0x1], $0xC400, s24, s23, $0x38;
	[tilespmem:$0x1A100] =	vst v63  }
0x144: {  	_ =	swait.ge [sflag:s25], $0xC400  }
0x145: {  	[sflag:s25] =	ssyncset.done $0x0  }
0x146: {  	[sflag:s25] =	ssyncadd.s32 $0xFFFF3C00  }
0x147: {  	_ =	sfence.sel $0x180000  }
0x148: {  	[bflag:$0x0] =	sbarrier.arrive $0xFFFF  }
0x149: {  	_ =	strace $0x9000004A  }
0x14a: {  	s0 =	stileid.u32;
	[bflag:$0x2] =	sbarrier.arrive $0xFFFF  }
0x14b: {  	p0 =	sne.s32 s0, $0x0;
	s0 =	rddreg [dreg:$0x2]  }
0x14c: {  	s0 =	sadd.s32 @!p0 $0x100000, s0  }
0x14d: {  	[sflag:s0] =	ssyncadd.tile.s32 @!p0 $0x1;
	_ =	shalt  }
.Lfunc_end2:
_tile_overlayer_lowered:
.L_overlay_start_2:
0x14e: {  	(tag) =	ssettag $0x2  }
0x14f: {  	s0 =	rddreg [dreg:$0x0];
	s2 =	stileid.u32  }
0x150: {  	s1 =	rddreg [dreg:$0x1];
	p0 =	sne.s32 s2, $0x0  }
0x151: {  	s3 =	rddreg [dreg:$0x2];
	[bflag:$0x3] =	sbarrier.arrive $0xFFFF;
	s2 =	simm.s32 @!p0 $0x1C01  }
0x152: {  	[timem:s3], [sflag:s2] =	dma.local @!p0 [hbm:s0], s1  }
0x153: {  	s0 =	simm.s32 @!p0 $0x1  }
0x154: {  	_ =	swait.ge @!p0 [sflag:s0], s1  }
0x155: {  	s1 =	ssub.s32 @!p0 $0x0, s1;
	[sflag:s0] =	ssyncset.done @!p0 $0x0  }
0x156: {  	[sflag:s0] =	ssyncadd.s32 @!p0 s1  }
0x157: {  	[bflag:$0x3] =	sbarrier.arrive $0xFFFF  }
0x158: {  	_ =	shalt  }

// kernel: kernel.7.cloned.1.call-start
scs
__scs_entry_jumppad:
0x0: {  	(pc) =	sbr.rel $0x88, $3  }
0x1: {  	(tag) =	ssettag $0x0;
	lr =	simm.s32 $0x1  }
0x2: {  	[smem:$0x3F9A] =	sst lr;
	_ =	strace $0xD0000000  }
0x3: {  	_ = 	snop  }
0x4: {  	_ = 	snop  }
0x5: {  	_ = 	snop  }
0x6: {  	_ = 	snop  }
0x7: {  	_ = 	snop  }
__scs_overlays_trampoline_lowered:
0x8: {  	[smem:$0x3FA9] =	sst s0  }
0x9: {  	[smem:$0x3FAA] =	sst s1  }
0xa: {  	[smem:$0x3FAB] =	sst s2  }
0xb: {  	[smem:$0x3FAC] =	sst s3  }
0xc: {  	[smem:$0x3FAD] =	sst s4  }
0xd: {  	[smem:$0x3FAE] =	sst s5  }
0xe: {  	[smem:$0x3FAF] =	sst s6  }
0xf: {  	[smem:$0x3FB0] =	sst s7  }
0x10: {  	[smem:$0x3FB1] =	sst s8  }
0x11: {  	[smem:$0x3FB2] =	sst s9;
	s0 =	simm.s32 @!p0 $0x0  }
0x12: {  	s1 =	sld [smem:$0x3F98];
	s0 =	simm.s32 @p0 $0x1  }
0x13: {  	[smem:$0x3FB3] =	sst s0;
	s0 =	simm.s32 @!p1 $0x0  }
0x14: {  	s2 =	sld [smem:$0x3F97];
	s0 =	simm.s32 @p1 $0x1  }
0x15: {  	[smem:$0x3FB4] =	sst s0;
	s0 =	simm.s32 @!p2 $0x0  }
0x16: {  	s3 =	sld [smem:$0x3FDB];
	s0 =	simm.s32 @p2 $0x1  }
0x17: {  	s4 =	simm.s32 $0x1BF5;
	[smem:$0x3FB6] =	sst s0  }
0x18: {  	s0 =	sld [smem:$0x3F99];
	_ =	swait.ge [sflag:s4], $0x0  }
0x19: {  	s7 =	sld [smem:$0x3F9A]  }
0x1a: {  	s8 =	sadd.s32 $0xFFFFE003, lr  }
0x1b: {  	s9 =	sadd.s32 $0xFFFFFEF7, lr;
	s5 =	simm.s32 $0xFFFFFFFF;
	p2 =	slt.u32 s8, $0xFFFFF086  }
0x1c: {  	p1 =	slt.u32 s9, $0xF7A;
	s5 =	simm.s32 @!p2 $0x0  }
0x1d: {  	s5 =	simm.s32 @p1 $0x1;
	p0 =	seq.s32 s7, s2  }
0x1e: {  	s7 =	smul.u32 @!p0 $0xF7A, s2;
	p2 =	seq.s32 @!p0 s5, $0x0  }
0x1f: {  	s9 =	smul.u32 $0xF7A, s1;
	s8 =	simm.s32 @!p0 $0x1BF5;
	p2 =	por !p2, p0  }
0x20: {  	[sflag:s8] =	ssyncset.s32 @!p0 $0xFFFFF086;
	s6 =	sadd.s32 @!p0 s3, s7;
	s7 =	simm.s32 @!p0 $0x108  }
0x21: {  	s3 =	sadd.s32 s3, s9;
	s6 =	sadd.s32 @!p0 $0x88, s6;
	s7 =	simm.s32 @p2 $0x1082  }
0x22: {  	[simem:s7], [sflag:s8] =	dma.local @!p0 [hbm:s6], $0xF7A  }
0x23: {  	s9 =	sor.u32 $0xD0000000, s2;
	s6 =	simm.s32 $0x108;
	_ =	swait.ge @!p0 [sflag:s8], $0x0  }
0x24: {  	s3 =	sadd.s32 $0x88, s3;
	s6 =	simm.s32 @!p1 $0x1082;
	[sflag:s4] =	ssyncset.s32 $0xFFFFF086  }
0x25: {  	[simem:s6], [sflag:s4] =	dma.local [hbm:s3], $0xF7A  }
0x26: {  	[smem:$0x3F9A] =	sst s1;
	(tag) =	ssettag s2;
	_ =	strace s9  }
0x27: {  	s1 =	sld [smem:$0x3FAA]  }
0x28: {  	s2 =	sld [smem:$0x3FAB]  }
0x29: {  	s4 =	sld [smem:$0x3FAD]  }
0x2a: {  	p0 =	seq.s32 s5, $0x0;
	s5 =	sld [smem:$0x3FAE]  }
0x2b: {  	s6 =	sld [smem:$0x3FAF]  }
0x2c: {  	s7 =	sld [smem:$0x3FB0]  }
0x2d: {  	s3 =	simm.s32 $0x108;
	s8 =	sld [smem:$0x3FB1]  }
0x2e: {  	s3 =	simm.s32 @!p0 $0x1082;
	s9 =	sld [smem:$0x3FB2]  }
0x2f: {  	lr =	sadd.s32 s0, s3;
	s0 =	sld [smem:$0x3FA9]  }
0x30: {  	s3 =	sld [smem:$0x3FAC]  }
0x31: {  	[smem:$0x3FB5] =	sst s10  }
0x32: {  	s10 =	sld [smem:$0x3FB3];
	_ =	sdelay $0x3  }
0x33: {  	p0 =	seq.s32 s10, $0x1;
	s10 =	sld [smem:$0x3FB5];
	_ =	sdelay $0x3  }
0x34: {  	[smem:$0x3FB5] =	sst s10  }
0x35: {  	s10 =	sld [smem:$0x3FB4];
	_ =	sdelay $0x3  }
0x36: {  	p1 =	seq.s32 s10, $0x1;
	s10 =	sld [smem:$0x3FB5];
	_ =	sdelay $0x3  }
0x37: {  	[smem:$0x3FB5] =	sst s10  }
0x38: {  	s10 =	sld [smem:$0x3FB6]  }
0x39: {  	_ = 	snop;
	(pc) =	sbr.ind lr, $3  }
0x3a: {  	_ = 	snop  }
0x3b: {  	_ = 	snop  }
0x3c: {  	p2 =	seq.s32 s10, $0x1;
	s10 =	sld [smem:$0x3FB5]  }
0x3d: {  	_ =	shalt  }
0x3e: {  	_ =	shalt  }
0x3f: {  	_ =	shalt  }
0x40: {  	_ =	shalt  }
0x41: {  	_ =	shalt  }
0x42: {  	_ =	shalt  }
0x43: {  	_ =	shalt  }
0x44: {  	_ =	shalt  }
0x45: {  	_ =	shalt  }
0x46: {  	_ =	shalt  }
0x47: {  	_ =	shalt  }
0x48: {  	_ =	shalt  }
0x49: {  	_ =	shalt  }
0x4a: {  	_ =	shalt  }
0x4b: {  	_ =	shalt  }
0x4c: {  	_ =	shalt  }
0x4d: {  	_ =	shalt  }
0x4e: {  	_ =	shalt  }
0x4f: {  	_ =	shalt  }
0x50: {  	_ =	shalt  }
0x51: {  	_ =	shalt  }
0x52: {  	_ =	shalt  }
0x53: {  	_ =	shalt  }
0x54: {  	_ =	shalt  }
0x55: {  	_ =	shalt  }
0x56: {  	_ =	shalt  }
0x57: {  	_ =	shalt  }
0x58: {  	_ =	shalt  }
0x59: {  	_ =	shalt  }
0x5a: {  	_ =	shalt  }
0x5b: {  	_ =	shalt  }
0x5c: {  	_ =	shalt  }
0x5d: {  	_ =	shalt  }
0x5e: {  	_ =	shalt  }
0x5f: {  	_ =	shalt  }
0x60: {  	_ =	shalt  }
0x61: {  	_ =	shalt  }
0x62: {  	_ =	shalt  }
0x63: {  	_ =	shalt  }
0x64: {  	_ =	shalt  }
0x65: {  	_ =	shalt  }
0x66: {  	_ =	shalt  }
0x67: {  	_ =	shalt  }
0x68: {  	_ =	shalt  }
0x69: {  	_ =	shalt  }
0x6a: {  	_ =	shalt  }
0x6b: {  	_ =	shalt  }
0x6c: {  	_ =	shalt  }
0x6d: {  	_ =	shalt  }
0x6e: {  	_ =	shalt  }
0x6f: {  	_ =	shalt  }
0x70: {  	_ =	shalt  }
0x71: {  	_ =	shalt  }
0x72: {  	_ =	shalt  }
0x73: {  	_ =	shalt  }
0x74: {  	_ =	shalt  }
0x75: {  	_ =	shalt  }
0x76: {  	_ =	shalt  }
0x77: {  	_ =	shalt  }
0x78: {  	_ =	shalt  }
0x79: {  	_ =	shalt  }
0x7a: {  	_ =	shalt  }
0x7b: {  	_ =	shalt  }
0x7c: {  	_ =	shalt  }
0x7d: {  	_ =	shalt  }
0x7e: {  	_ =	shalt  }
0x7f: {  	_ =	shalt  }
0x80: {  	_ =	shalt  }
0x81: {  	_ =	shalt  }
0x82: {  	_ =	shalt  }
0x83: {  	_ =	shalt  }
0x84: {  	_ =	shalt  }
0x85: {  	_ =	shalt  }
0x86: {  	_ =	shalt  }
0x87: {  	_ =	shalt  }
.Lfunc_end0:
.L_simem_size_0:
called_computation_lowered:
.L_overlay_start_0:
0x88: {  	s2 =	sld [smem:$0x3FD9]  }
0x89: {  	s3 =	sld [smem:$0x3FFE];
	_ =	sdelay $0x1  }
0x8a: {  	s1 =	srdreg.scid  }
0x8b: {  	s0 =	sand.u32 $0x1, s1  }
0x8c: {  	s17 =	sshll.u32 s0, $0xA;
	s2 =	sadd.s32 s3, s2  }
0x8d: {  	s2 =	sadd.s32 s2, s17  }
0x8e: {  	[smem:$0x3FC1] =	sst s2  }
0x8f: {  	_ = 	snop  }
0x90: {  	s2 =	sld [smem:$0x3FD0];
	(tm) =	ssettm $0x1  }
0x91: {  	s18 =	sld [smem:$0x3FFB];
	_ =	sdelay $0x3  }
0x92: {  	_ =	strace s18  }
0x93: {  	s3 =	sld [smem:$0x3FFC];
	_ =	sdelay $0x3  }
0x94: {  	_ =	strace s3  }
0x95: {  	s3 =	sld [smem:$0x3FFD];
	_ =	sdelay $0x3  }
0x96: {  	_ =	strace s3  }
0x97: {  	_ =	strace $0x8FFFFFFF  }
0x98: {  	s19 =	sld [smem:$0x3FDB];
	_ =	sdelay $0x1  }
0x99: {  	s4 =	simm.s32 $_scs_section_size  }
0x9a: {  	s5 =	simm.s32 $_size__tile_overlayer_lowered;
	s6 =	simm.s32 $_tile_overlayer_lowered  }
0x9b: {  	s22 =	simm.s32 $0x1BFF;
	s21 =	sshll.u32 s6, $0x1;
	s3 =	sadd.s32 s4, s19  }
0x9c: {  	s7 =	simm.s32 $0x0;
	s20 =	sshll.u32 s5, $0x1;
	s5 =	sadd.s32 s21, s3  }
0x9d: {  	[timem:s7], [sflag:s22] =	dma.local [hbm:s5], s20  }
0x9e: {  	_ =	swait.ge [sflag:s22], s20  }
0x9f: {  	s4 =	ssub.s32 $0x0, s20;
	[sflag:s22] =	ssyncset.done $0x0  }
0xa0: {  	[sflag:s22] =	ssyncadd.s32 s4;
	_ =	sdelay $0x1  }
0xa1: {  	s23 =	simm.s32 $0x1B8B  }
0xa2: {  	_ =	swait.ge [sflag:s23], $0x1  }
0xa3: {  	[sflag:s23] =	ssyncset.done $0x0  }
0xa4: {  	s25 =	simm.s32 $0x1B8E;
	s24 =	sld [smem:$0x3FFE];
	[sflag:s23] =	ssyncadd.s32 $0xFFFFFFFF  }
0xa5: {  	s26 =	simm.s32 $execute0_lowered;
	[smem:$0x3FD2] =	sst s25  }
0xa6: {  	s5 =	sshll.u32 s26, $0x1;
	_ =	strace $0x80000046;
	[dreg:$0x1] =	wrdreg $0xFFFFFFFF  }
0xa7: {  	s28 =	simm.s32 $_size_execute0_lowered;
	s3 =	sadd.s32 s3, s5;
	[dreg:$0x0] =	wrdreg $0x0  }
0xa8: {  	s5 =	sshll.u32 s28, $0x1;
	[dreg:$0x2] =	wrdreg s3  }
0xa9: {  	[dreg:$0x3] =	wrdreg s5  }
0xaa: {  	[dreg:$0x4] =	wrdreg $0xC0  }
0xab: {  	_ =	task [dreg:s7], $0x5FFFF  }
0xac: {  	[dreg:$0x1] =	wrdreg $0xFFFFFFFF  }
0xad: {  	[dreg:$0x0] =	wrdreg $0x60  }
0xae: {  	[dreg:$0x2] =	wrdreg s2  }
0xaf: {  	[dreg:$0x3] =	wrdreg s24  }
0xb0: {  	[dreg:$0x4] =	wrdreg $0x9  }
0xb1: {  	_ =	task.clear_ibuf [dreg:s7], $0x5FFFF;
	_ =	strace $0x90000046  }
0xb2: {  	s29 =	simm.s32 $0x9;
	_ =	strace $0x80000048  }
0xb3: {  	_ =	swait.ge [sflag:s29], $0x1  }
0xb4: {  	[sflag:s29] =	ssyncadd.s32 $0xFFFFFFFF  }
0xb5: {  	_ =	strace $0x90000048  }
0xb6: {  	_ =	sfence  }
0xb7: {  	s30 =	sld [smem:$0x0];
	_ =	sdelay $0x2  }
0xb8: {  	s31 =	sshll.u32 s1, $0xD;
	s1 =	sshrl.u32 s1, $0x2  }
0xb9: {  	s3 =	sand.u32 $0x4000, s31;
	s1 =	sadd.s32 s1, s30  }
0xba: {  	s0 =	sor.u32 s3, s0;
	s1 =	sshll.u32 s1, $0x11  }
0xbb: {  	s0 =	sor.u32 s1, s0  }
0xbc: {  	s0 =	sadd.s32 $0x8F2B, s0  }
0xbd: {  	[sflag:s0] =	ssyncadd.remote.s32 $0x1  }
0xbe: {  	_ =	sfence.sel $0xFFFF  }
0xbf: {  	[dreg:$0x0] =	wrdreg $0xFFFFFFFF;
	(pc) =	sbr.abs _section_cstart, $3  }
0xc0: {  	[dreg:$0x1] =	wrdreg $0xFFFFFFFF  }
0xc1: {  	_ =	task.clear_ibuf [dreg:s7], $0x2FFFF;
	_ =	strace $0x9FFFFFFF  }
0xc2: {  	(tm) =	ssettm $0x7FFFFFFF  }
0xc3: {  	_ =	shalt  }
tec
execute0_lowered:
.L_overlay_start_1:
0x0: {  	(tag) =	ssettag $0x1  }
0x1: {  	s0 =	srdreg.scid;
	s2 =	rddreg [dreg:$0x0]  }
0x2: {  	s6 =	rddreg [dreg:$0x1];
	s3 =	simm.s32 $0x0;
	s5 =	sand.u32 $0x1, s0  }
0x3: {  	s8 =	simm.s32 $0x80;
	s0 =	stileid.u32;
	s1 =	sshll.u32 s5, $0x4  }
0x4: {  	s9 =	simm.s32 $0x200;
	s10 =	simm.s32 $0xC400;
	s1 =	sor.u32 s0, s1  }
0x5: {  	s11 =	simm.s32 $0x1;
	s12 =	simm.s32 $0x400;
	s1 =	sshrl.u32 s1, $0x3  }
0x6: {  	s13 =	simm.s32 $0x0;
	s29 =	sshll.u32 s0, $0x7;
	s4 =	smul.u32 $0x62000, s1  }
0x7: {  	[smem:$0x7FF] =	sst s3;
	s30 =	ssub.s32 $0x2, s5;
	s7 =	sand.u32 $0x380, s29  }
0x8: {  	s5 =	sshll.u32 s5, $0x8;
	s31 =	sshrl.u32 s30, $0x1;
	s4 =	sor.u32 s7, s4  }
0x9: {  	s5 =	sor.u32 $0x80, s5;
	s1 =	rddreg [dreg:$0x2];
	s4 =	sshrl.u32 s4, $0x3  }
0xa: {  	_ =	strace $0x80000047;
	s7 =	ssub.s32 s30, s31;
	s6 =	sadd.s32 s4, s6  }
0xb: {  	v0 =	vimm.f32 $0.0e+00;
	v1 =	vimm.f32 $1.000000000e+00;
	s7 =	smax.u32 s7, $0x1;
	s4 =	smul.u32 $0x6400, s0;
	s6 =	sadd.s32 $0x2000, s6  }
.LBB2_1:
0xc: {  	s14 =	simm.s32 $0x40;
	s15 =	simm.s32 $0x0  }
.LBB2_2:
0xd: {  	p0 =	sne.s32 s14, $0x30FC0;
	[tilespmem:s15+$0x0] =	vst v0;
	s15 =	smov.u32 s14;
	s14 =	sadd.s32 $0x40, s14  }
.Ltmp0:
0xe: {  	(pc) =	sbr.rel @p0 .LBB2_2-.Ltmp0, $2  }
0xf: {  	_ =	sdelay $0x2  }
0x10: {  	s15 =	sshra.s32 s15, $0x2  }
0x11: {  	[tilespmem:s15+$0x0] =	vst v0;
	s14 =	simm.s32 $0x0  }
.LBB2_4:
0x12: {  	s15 =	smul.u32 $0xC80, s14;
	_ =	sdelay $0x1  }
0x13: {  	s15 =	sadd.s32 s4, s15  }
0x14: {  	s15 =	sshll.u32 s15, $0x2  }
0x15: {  	s15 =	sor.u32 s5, s15  }
0x16: {  	s15 =	sshrl.u32 s15, $0x3  }
0x17: {  	s15 =	sadd.s32 s2, s15  }
0x18: {  	[tilespmem:s10], [sflag:$0x1] =	stream.strided.gather [hbm4b:s15+s8], $0xC80, s9, s8, $0x38;
	[tilespmem:$0xD080] =	vst v63  }
0x19: {  	_ =	swait.ge [sflag:s11], $0xC80  }
0x1a: {  	[sflag:s11] =	ssyncset.done $0x0  }
0x1b: {  	s16 =	simm.s32 $0x0;
	s15 =	simm.s32 $0x40;
	[sflag:s11] =	ssyncadd.s32 $0xFFFFF380  }
.LBB2_5:
0x1c: {  	p0 =	sne.s32 s15, $0x31C0;
	v2 =	vld [tilespmem:s16+$0xC400];
	_ =	sdelay $0x3  }
.Ltmp1:
0x1d: {  	(pc) =	sbr.rel @p0 .LBB2_5-.Ltmp1, $2  }
0x1e: {  	_ =	sdelay $0x2  }
0x1f: {  	s16 =	sshra.s32 s15, $0x2;
	s15 =	sadd.s32 $0x40, s15;
	[tilespmem:v2+s3+$0x0] =	vst.idx.add.f32.msk $0xffff, v1  }
0x20: {  	v2 =	vld [tilespmem:s16+$0xC400];
	_ =	sdelay $0x1  }
0x21: {  	s14 =	sadd.s32 $0x1, s14  }
0x22: {  	p0 =	sne.s32 s14, $0x8  }
.Ltmp2:
0x23: {  	_ = 	snop;
	(pc) =	sbr.rel @p0 .LBB2_4-.Ltmp2, $2  }
0x24: {  	_ =	sdelay $0x2  }
0x25: {  	[tilespmem:v2+s3+$0x0] =	vst.idx.add.f32.msk $0xffff, v1  }
0x26: {  	s13 =	sadd.s32 $0x1, s13  }
0x27: {  	p0 =	sne.s32 s13, s7  }
.Ltmp3:
0x28: {  	_ = 	snop;
	(pc) =	sbr.rel @p0 .LBB2_1-.Ltmp3, $4  }
0x29: {  	[hbm4b:s6+s8] =	stream.strided.scatter [tilespmem:s3], [sflag:$0x1], $0xC400, s12, s8, $0x38;
	[tilespmem:$0xD080] =	vst v63  }
0x2a: {  	_ =	swait.ge [sflag:s11], $0xC400  }
0x2b: {  	[sflag:s11] =	ssyncset.done $0x0  }
0x2c: {  	[sflag:s11] =	ssyncadd.s32 $0xFFFF3C00  }
0x2d: {  	_ =	sfence.sel $0x180000  }
0x2e: {  	[bflag:$0x0] =	sbarrier.arrive $0xFFFF  }
0x2f: {  	p0 =	sne.s32 s0, $0x0;
	_ =	strace $0x90000047  }
0x30: {  	s0 =	sadd.s32 @!p0 $0x100000, s1;
	[bflag:$0x2] =	sbarrier.arrive $0xFFFF  }
0x31: {  	[sflag:s0] =	ssyncadd.tile.s32 @!p0 $0x1;
	_ =	shalt  }
.Lfunc_end2:
_tile_overlayer_lowered:
.L_overlay_start_2:
0x32: {  	(tag) =	ssettag $0x2  }
0x33: {  	s0 =	rddreg [dreg:$0x0];
	s2 =	stileid.u32  }
0x34: {  	s1 =	rddreg [dreg:$0x1];
	p0 =	sne.s32 s2, $0x0  }
0x35: {  	s3 =	rddreg [dreg:$0x2];
	[bflag:$0x3] =	sbarrier.arrive $0xFFFF;
	s2 =	simm.s32 @!p0 $0x1C01  }
0x36: {  	[timem:s3], [sflag:s2] =	dma.local @!p0 [hbm:s0], s1  }
0x37: {  	s0 =	simm.s32 @!p0 $0x1  }
0x38: {  	_ =	swait.ge @!p0 [sflag:s0], s1  }
0x39: {  	s1 =	ssub.s32 @!p0 $0x0, s1;
	[sflag:s0] =	ssyncset.done @!p0 $0x0  }
0x3a: {  	[sflag:s0] =	ssyncadd.s32 @!p0 s1  }
0x3b: {  	[bflag:$0x3] =	sbarrier.arrive $0xFFFF  }
0x3c: {  	_ =	shalt  }

</sc_bundles>
